<compile_context>
chip_gen: v7x
topology: tpu7x:2x2x1
jax: 0.10.2.dev20260603
libtpu: 0.0.44.dev20260713+nightly
codegen_flags: <defaults>
</compile_context>

<pallas_src>
import functools

import jax
import jax.numpy as jnp
from jax import lax
from jax.experimental import pallas as pl
from jax.experimental.pallas import tpu as pltpu
from jax.experimental.pallas import tpu_sc as plsc

B = 16384
N_DENSE = 13
N_SPARSE = 26
VOCAB = 1000000
NUM_CORES = 2
NUM_SUBCORES = 16
NUM_WORKERS = NUM_CORES * NUM_SUBCORES
ROWS_PER_W = B // NUM_WORKERS
LANES = 16
SLICES = ROWS_PER_W // LANES

IDX_PER_W = ROWS_PER_W * N_SPARSE
DEN_PER_W = ROWS_PER_W * N_DENSE

SHARD_SPAN = VOCAB // NUM_SUBCORES
SHARD = 62504
CHUNKS = [7816] * 7 + [62504 - 7 * 7816]
BOUNCE = 7816


def _body(sparse_hbm, dense_hbm, w_hbm, wdb_hbm, out_hbm,
          idx_v, vals_v, den_v, out_v, wdb_v, w_sh, w_tmp, sem, semw, semi):
    cid = lax.axis_index("c")
    sid = lax.axis_index("s")
    wid = sid * NUM_CORES + cid

    sbase = pl.multiple_of((sid * SHARD_SPAN) & ~7, 8)

    reads = [None, None]
    reads[0] = pltpu.async_copy(
        w_hbm.at[pl.ds(sbase, CHUNKS[0])], w_tmp.at[pl.ds(0, CHUNKS[0])], semw)
    a_idx = pltpu.async_copy(sparse_hbm.at[wid], idx_v, semi)
    a_den = pltpu.async_copy(dense_hbm.at[wid], den_v, semi)
    a_wdb = pltpu.async_copy(wdb_hbm, wdb_v, semi)

    off = 0
    for k, size in enumerate(CHUNKS):
        p = k % 2
        if k + 1 < len(CHUNKS):
            reads[1 - p] = pltpu.async_copy(
                w_hbm.at[pl.ds(sbase + off + size, CHUNKS[k + 1])],
                w_tmp.at[pl.ds((1 - p) * BOUNCE, CHUNKS[k + 1])], semw)
        reads[p].wait()
        pltpu.sync_copy(w_tmp.at[pl.ds(p * BOUNCE, size)],
                        w_sh.at[pl.ds(sbase + off, size)])
        off += size
    a_idx.wait()
    plsc.subcore_barrier()

    gather = pltpu.async_copy(w_sh.at[idx_v], vals_v, sem)
    a_den.wait()
    a_wdb.wait()
    gather.wait()

    bdv = wdb_v[pl.ds(N_DENSE * LANES, LANES)]

    def slice_body(i, carry):
        r0 = i * LANES
        s = bdv
        for f in range(N_SPARSE):
            s = s + vals_v[pl.ds(f * ROWS_PER_W + r0, LANES)]
        for j in range(N_DENSE):
            s = s + (wdb_v[pl.ds(j * LANES, LANES)]
                     * den_v[pl.ds(j * ROWS_PER_W + r0, LANES)])
        out_v[pl.ds(r0, LANES)] = s
        return carry

    lax.fori_loop(0, SLICES, slice_body, 0)

    pltpu.sync_copy(out_v, out_hbm.at[pl.ds(wid * ROWS_PER_W, ROWS_PER_W)])


@functools.partial(
    pl.kernel,
    out_type=jax.ShapeDtypeStruct((B,), jnp.float32),
    mesh=plsc.VectorSubcoreMesh(core_axis_name="c", subcore_axis_name="s"),
    scratch_types=[
        pltpu.VMEM((IDX_PER_W,), jnp.int32),
        pltpu.VMEM((IDX_PER_W,), jnp.float32),
        pltpu.VMEM((DEN_PER_W,), jnp.float32),
        pltpu.VMEM((ROWS_PER_W,), jnp.float32),
        pltpu.VMEM(((N_DENSE + 1) * LANES,), jnp.float32),
        pltpu.VMEM_SHARED((VOCAB,), jnp.float32),
        pltpu.VMEM((2 * BOUNCE,), jnp.float32),
        pltpu.SemaphoreType.DMA,
        pltpu.SemaphoreType.DMA,
        pltpu.SemaphoreType.DMA,
    ],
)
def _sc_kernel(sparse_hbm, dense_hbm, w_hbm, wdb_hbm, out_hbm,
               idx_v, vals_v, den_v, out_v, wdb_v, w_sh, w_tmp,
               sem, semw, semi):
    _body(sparse_hbm, dense_hbm, w_hbm, wdb_hbm, out_hbm,
          idx_v, vals_v, den_v, out_v, wdb_v, w_sh, w_tmp, sem, semw, semi)


def kernel(dense_input, sparse_input, w, Wd, bd):
    sparse_t = jnp.transpose(
        sparse_input.astype(jnp.int32).reshape(NUM_WORKERS, ROWS_PER_W, N_SPARSE),
        (0, 2, 1)).reshape(NUM_WORKERS, IDX_PER_W)
    dense_t = jnp.transpose(
        dense_input.reshape(NUM_WORKERS, ROWS_PER_W, N_DENSE),
        (0, 2, 1)).reshape(NUM_WORKERS, DEN_PER_W)
    w_flat = w.reshape(-1)
    wdb = jnp.concatenate(
        [jnp.repeat(Wd.reshape(-1), LANES), jnp.repeat(bd.reshape(-1), LANES)])
    out = _sc_kernel(sparse_t, dense_t, w_flat, wdb)
    return out.reshape(B, 1)

# --- scband reference (transcript-rebuilt; emitter-appended) ---
"""Pipeline reference for scband-linear-14903536517778 (READ-ONLY COPY).

The authoritative reference and input builder live on the scoring server;
editing this copy changes nothing except your own understanding.
"""

import jax, jax.numpy as jnp
import numpy as np

B = 16384
N_DENSE = 13
N_SPARSE = 26
VOCAB = 1000000

def setup_inputs(seed: int = 0) -> dict:
    key = jax.random.key(seed)
    k1, k2, k3, k4 = jax.random.split(key, 4)
    dense_input = jax.random.normal(k1, (B, N_DENSE), dtype=jnp.float32)
    sparse_input = jax.random.randint(k2, (B, N_SPARSE), 0, VOCAB)
    # learned params
    w = jax.random.normal(k3, (VOCAB, 1), dtype=jnp.float32) * 0.01  # per-feature linear weight table
    Wd = jax.random.normal(k4, (N_DENSE, 1), dtype=jnp.float32) * 0.1  # Dense(1) kernel
    bd = jnp.zeros((1,), dtype=jnp.float32)  # Dense(1) bias
    return {"dense_input": dense_input, "sparse_input": sparse_input, "w": w, "Wd": Wd, "bd": bd}

def reference(dense_input, sparse_input, w, Wd, bd):
    # dense part: Dense(1, activation=None)
    dense_output = dense_input @ Wd + bd  # [B, 1]
    # sparse part: sum of embedding_lookup over fields
    sparse_output = jnp.sum(jnp.take(w, sparse_input, axis=0), axis=1)  # [B, 1]
    return dense_output + sparse_output

if __name__ == "__main__":
    import jax
    _d = setup_inputs()
    print(jax.jit(kernel)(*tuple(_d.values())))

</pallas_src>

<mosaic_0001>
#map = affine_map<(d0, d1) -> (0, 0)>
#map1 = affine_map<(d0, d1) -> (0)>
module attributes {stable_mosaic.version = 14 : i64} {
  func.func @_sc_kernel(%arg0: i32, %arg1: i32, %arg2: memref<32x13312xi32, #tpu.memory_space<hbm>>, %arg3: memref<32x6656xf32, #tpu.memory_space<hbm>>, %arg4: memref<1000000xf32, #tpu.memory_space<hbm>>, %arg5: memref<224xf32, #tpu.memory_space<hbm>>, %arg6: memref<16384xf32, #tpu.memory_space<hbm>>, %arg7: memref<13312xi32, #tpu.memory_space<vmem>>, %arg8: memref<13312xf32, #tpu.memory_space<vmem>>, %arg9: memref<6656xf32, #tpu.memory_space<vmem>>, %arg10: memref<512xf32, #tpu.memory_space<vmem>>, %arg11: memref<224xf32, #tpu.memory_space<vmem>>, %arg12: memref<1000000xf32, #tpu.memory_space<vmem_shared>>, %arg13: memref<15632xf32, #tpu.memory_space<vmem>>, %arg14: memref<!tpu.dma_semaphore, #tpu.memory_space<semaphore_mem>>, %arg15: memref<!tpu.dma_semaphore, #tpu.memory_space<semaphore_mem>>, %arg16: memref<!tpu.dma_semaphore, #tpu.memory_space<semaphore_mem>>) attributes {dimension_semantics = [#tpu.dimension_semantics<core_parallel>, #tpu.dimension_semantics<subcore_parallel>], iteration_bounds = array<i64: 2, 16>, scalar_prefetch = 0 : i64, scratch_operands = 10 : i64, tpu.core_type = #tpu.core_type<sc_vector_subcore>, window_params = [{transform_indices = #map}, {transform_indices = #map}, {transform_indices = #map1}, {transform_indices = #map1}, {transform_indices = #map1}]} {
    %mul3A = arith.constant 2 : i32
    %mul3A_0 = arith.muli %arg1, %mul3A : i32
    %add3A = arith.addi %mul3A_0, %arg0 : i32
    %mul3A_1 = arith.constant 62500 : i32
    %mul3A_2 = arith.muli %arg1, %mul3A_1 : i32
    %and3A = arith.constant -8 : i32
    %and3A_3 = arith.andi %mul3A_2, %and3A : i32
    %multiple_of3A = tpu.assume_multiple %and3A_3, 8 : i32
    %dma_start3A = arith.constant 0 : i32
    %dma_start3A_4 = tpu.memref_slice %arg13[%dma_start3A] : memref<15632xf32, #tpu.memory_space<vmem>> -> memref<7816xf32, #tpu.memory_space<vmem>>
    %dma_start3A_5 = tpu.memref_slice %arg4[%multiple_of3A] : memref<1000000xf32, #tpu.memory_space<hbm>> -> memref<7816xf32, #tpu.memory_space<hbm>>
    %dma_start3A_6 = arith.constant 0 : i32
    %dma_start3A_7 = tpu.memref_slice %arg13[%dma_start3A_6] : memref<15632xf32, #tpu.memory_space<vmem>> -> memref<7816xf32, #tpu.memory_space<vmem>>
    %dma_start3A_8 = tpu.memref_slice %arg4[%multiple_of3A] : memref<1000000xf32, #tpu.memory_space<hbm>> -> memref<7816xf32, #tpu.memory_space<hbm>>
    tpu.enqueue_dma source(%dma_start3A_8 : memref<7816xf32, #tpu.memory_space<hbm>>) target(%dma_start3A_7 : memref<7816xf32, #tpu.memory_space<vmem>>) target_semaphore(%arg15 : memref<!tpu.dma_semaphore, #tpu.memory_space<semaphore_mem>>)
    %dma_start3A_9 = arith.constant 0 : i32
    %dma_start3A_10 = tpu.memref_slice %arg2[%add3A, %dma_start3A_9] : memref<32x13312xi32, #tpu.memory_space<hbm>> -> memref<1x13312xi32, #tpu.memory_space<hbm>>
    %dma_start3A_11 = tpu.memref_squeeze %dma_start3A_10 : memref<1x13312xi32, #tpu.memory_space<hbm>> -> memref<13312xi32, #tpu.memory_space<hbm>>
    %dma_start3A_12 = arith.constant 0 : i32
    %dma_start3A_13 = tpu.memref_slice %arg2[%add3A, %dma_start3A_12] : memref<32x13312xi32, #tpu.memory_space<hbm>> -> memref<1x13312xi32, #tpu.memory_space<hbm>>
    %dma_start3A_14 = tpu.memref_squeeze %dma_start3A_13 : memref<1x13312xi32, #tpu.memory_space<hbm>> -> memref<13312xi32, #tpu.memory_space<hbm>>
    tpu.enqueue_dma source(%dma_start3A_14 : memref<13312xi32, #tpu.memory_space<hbm>>) target(%arg7 : memref<13312xi32, #tpu.memory_space<vmem>>) target_semaphore(%arg16 : memref<!tpu.dma_semaphore, #tpu.memory_space<semaphore_mem>>)
    %dma_start3A_15 = arith.constant 0 : i32
    %dma_start3A_16 = tpu.memref_slice %arg3[%add3A, %dma_start3A_15] : memref<32x6656xf32, #tpu.memory_space<hbm>> -> memref<1x6656xf32, #tpu.memory_space<hbm>>
    %dma_start3A_17 = tpu.memref_squeeze %dma_start3A_16 : memref<1x6656xf32, #tpu.memory_space<hbm>> -> memref<6656xf32, #tpu.memory_space<hbm>>
    %dma_start3A_18 = arith.constant 0 : i32
    %dma_start3A_19 = tpu.memref_slice %arg3[%add3A, %dma_start3A_18] : memref<32x6656xf32, #tpu.memory_space<hbm>> -> memref<1x6656xf32, #tpu.memory_space<hbm>>
    %dma_start3A_20 = tpu.memref_squeeze %dma_start3A_19 : memref<1x6656xf32, #tpu.memory_space<hbm>> -> memref<6656xf32, #tpu.memory_space<hbm>>
    tpu.enqueue_dma source(%dma_start3A_20 : memref<6656xf32, #tpu.memory_space<hbm>>) target(%arg9 : memref<6656xf32, #tpu.memory_space<vmem>>) target_semaphore(%arg16 : memref<!tpu.dma_semaphore, #tpu.memory_space<semaphore_mem>>)
    tpu.enqueue_dma source(%arg5 : memref<224xf32, #tpu.memory_space<hbm>>) target(%arg11 : memref<224xf32, #tpu.memory_space<vmem>>) target_semaphore(%arg16 : memref<!tpu.dma_semaphore, #tpu.memory_space<semaphore_mem>>)
    %add3A_21 = arith.constant 0 : i32
    %add3A_22 = arith.addi %multiple_of3A, %add3A_21 : i32
    %add3A_23 = arith.constant 7816 : i32
    %add3A_24 = arith.addi %add3A_22, %add3A_23 : i32
    %dma_start3A_25 = arith.constant 7816 : i32
    %dma_start3A_26 = tpu.memref_slice %arg13[%dma_start3A_25] : memref<15632xf32, #tpu.memory_space<vmem>> -> memref<7816xf32, #tpu.memory_space<vmem>>
    %dma_start3A_27 = tpu.memref_slice %arg4[%add3A_24] : memref<1000000xf32, #tpu.memory_space<hbm>> -> memref<7816xf32, #tpu.memory_space<hbm>>
    %dma_start3A_28 = arith.constant 7816 : i32
    %dma_start3A_29 = tpu.memref_slice %arg13[%dma_start3A_28] : memref<15632xf32, #tpu.memory_space<vmem>> -> memref<7816xf32, #tpu.memory_space<vmem>>
    %dma_start3A_30 = tpu.memref_slice %arg4[%add3A_24] : memref<1000000xf32, #tpu.memory_space<hbm>> -> memref<7816xf32, #tpu.memory_space<hbm>>
    tpu.enqueue_dma source(%dma_start3A_30 : memref<7816xf32, #tpu.memory_space<hbm>>) target(%dma_start3A_29 : memref<7816xf32, #tpu.memory_space<vmem>>) target_semaphore(%arg15 : memref<!tpu.dma_semaphore, #tpu.memory_space<semaphore_mem>>)
    %dma_wait3A = arith.constant 0 : i32
    %dma_wait3A_31 = tpu.memref_slice %arg13[%dma_wait3A] : memref<15632xf32, #tpu.memory_space<vmem>> -> memref<7816xf32, #tpu.memory_space<vmem>>
    %dma_wait3A_32 = tpu.memref_slice %arg4[%multiple_of3A] : memref<1000000xf32, #tpu.memory_space<hbm>> -> memref<7816xf32, #tpu.memory_space<hbm>>
    %dma_wait3A_33 = arith.constant 0 : i32
    %dma_wait3A_34 = tpu.memref_slice %arg13[%dma_wait3A_33] : memref<15632xf32, #tpu.memory_space<vmem>> -> memref<7816xf32, #tpu.memory_space<vmem>>
    %dma_wait3A_35 = tpu.memref_slice %arg4[%multiple_of3A] : memref<1000000xf32, #tpu.memory_space<hbm>> -> memref<7816xf32, #tpu.memory_space<hbm>>
    tpu.wait_dma2 semaphore(%arg15 : memref<!tpu.dma_semaphore, #tpu.memory_space<semaphore_mem>>) src(%dma_wait3A_35 : memref<7816xf32, #tpu.memory_space<hbm>>) dst(%dma_wait3A_34 : memref<7816xf32, #tpu.memory_space<vmem>>)
    %add3A_36 = arith.constant 0 : i32
    %add3A_37 = arith.addi %multiple_of3A, %add3A_36 : i32
    "tpu.region"() ({
      %run_scoped3A = tpu.sem_alloc : memref<!tpu.dma_semaphore, #tpu.memory_space<semaphore_mem>>
      %dma_start3A_179 = arith.constant 0 : i32
      %dma_start3A_180 = tpu.memref_slice %arg13[%dma_start3A_179] : memref<15632xf32, #tpu.memory_space<vmem>> -> memref<7816xf32, #tpu.memory_space<vmem>>
      %dma_start3A_181 = tpu.memref_slice %arg12[%add3A_37] : memref<1000000xf32, #tpu.memory_space<vmem_shared>> -> memref<7816xf32, #tpu.memory_space<vmem_shared>>
      %dma_start3A_182 = tpu.memref_slice %arg12[%add3A_37] : memref<1000000xf32, #tpu.memory_space<vmem_shared>> -> memref<7816xf32, #tpu.memory_space<vmem_shared>>
      %dma_start3A_183 = arith.constant 0 : i32
      %dma_start3A_184 = tpu.memref_slice %arg13[%dma_start3A_183] : memref<15632xf32, #tpu.memory_space<vmem>> -> memref<7816xf32, #tpu.memory_space<vmem>>
      tpu.enqueue_dma source(%dma_start3A_184 : memref<7816xf32, #tpu.memory_space<vmem>>) target(%dma_start3A_182 : memref<7816xf32, #tpu.memory_space<vmem_shared>>) target_semaphore(%run_scoped3A : memref<!tpu.dma_semaphore, #tpu.memory_space<semaphore_mem>>)
      %dma_wait3A_185 = arith.constant 0 : i32
      %dma_wait3A_186 = tpu.memref_slice %arg13[%dma_wait3A_185] : memref<15632xf32, #tpu.memory_space<vmem>> -> memref<7816xf32, #tpu.memory_space<vmem>>
      %dma_wait3A_187 = tpu.memref_slice %arg12[%add3A_37] : memref<1000000xf32, #tpu.memory_space<vmem_shared>> -> memref<7816xf32, #tpu.memory_space<vmem_shared>>
      %dma_wait3A_188 = tpu.memref_slice %arg12[%add3A_37] : memref<1000000xf32, #tpu.memory_space<vmem_shared>> -> memref<7816xf32, #tpu.memory_space<vmem_shared>>
      %dma_wait3A_189 = arith.constant 0 : i32
      %dma_wait3A_190 = tpu.memref_slice %arg13[%dma_wait3A_189] : memref<15632xf32, #tpu.memory_space<vmem>> -> memref<7816xf32, #tpu.memory_space<vmem>>
      tpu.wait_dma2 semaphore(%run_scoped3A : memref<!tpu.dma_semaphore, #tpu.memory_space<semaphore_mem>>) src(%dma_wait3A_190 : memref<7816xf32, #tpu.memory_space<vmem>>) dst(%dma_wait3A_188 : memref<7816xf32, #tpu.memory_space<vmem_shared>>)
      tpu.yield
    }) : () -> ()
    %add3A_38 = arith.constant 7816 : i32
    %add3A_39 = arith.addi %multiple_of3A, %add3A_38 : i32
    %add3A_40 = arith.constant 7816 : i32
    %add3A_41 = arith.addi %add3A_39, %add3A_40 : i32
    %dma_start3A_42 = arith.constant 0 : i32
    %dma_start3A_43 = tpu.memref_slice %arg13[%dma_start3A_42] : memref<15632xf32, #tpu.memory_space<vmem>> -> memref<7816xf32, #tpu.memory_space<vmem>>
    %dma_start3A_44 = tpu.memref_slice %arg4[%add3A_41] : memref<1000000xf32, #tpu.memory_space<hbm>> -> memref<7816xf32, #tpu.memory_space<hbm>>
    %dma_start3A_45 = arith.constant 0 : i32
    %dma_start3A_46 = tpu.memref_slice %arg13[%dma_start3A_45] : memref<15632xf32, #tpu.memory_space<vmem>> -> memref<7816xf32, #tpu.memory_space<vmem>>
    %dma_start3A_47 = tpu.memref_slice %arg4[%add3A_41] : memref<1000000xf32, #tpu.memory_space<hbm>> -> memref<7816xf32, #tpu.memory_space<hbm>>
    tpu.enqueue_dma source(%dma_start3A_47 : memref<7816xf32, #tpu.memory_space<hbm>>) target(%dma_start3A_46 : memref<7816xf32, #tpu.memory_space<vmem>>) target_semaphore(%arg15 : memref<!tpu.dma_semaphore, #tpu.memory_space<semaphore_mem>>)
    %dma_wait3A_48 = arith.constant 7816 : i32
    %dma_wait3A_49 = tpu.memref_slice %arg13[%dma_wait3A_48] : memref<15632xf32, #tpu.memory_space<vmem>> -> memref<7816xf32, #tpu.memory_space<vmem>>
    %dma_wait3A_50 = tpu.memref_slice %arg4[%add3A_24] : memref<1000000xf32, #tpu.memory_space<hbm>> -> memref<7816xf32, #tpu.memory_space<hbm>>
    %dma_wait3A_51 = arith.constant 7816 : i32
    %dma_wait3A_52 = tpu.memref_slice %arg13[%dma_wait3A_51] : memref<15632xf32, #tpu.memory_space<vmem>> -> memref<7816xf32, #tpu.memory_space<vmem>>
    %dma_wait3A_53 = tpu.memref_slice %arg4[%add3A_24] : memref<1000000xf32, #tpu.memory_space<hbm>> -> memref<7816xf32, #tpu.memory_space<hbm>>
    tpu.wait_dma2 semaphore(%arg15 : memref<!tpu.dma_semaphore, #tpu.memory_space<semaphore_mem>>) src(%dma_wait3A_53 : memref<7816xf32, #tpu.memory_space<hbm>>) dst(%dma_wait3A_52 : memref<7816xf32, #tpu.memory_space<vmem>>)
    %add3A_54 = arith.constant 7816 : i32
    %add3A_55 = arith.addi %multiple_of3A, %add3A_54 : i32
    "tpu.region"() ({
      %run_scoped3A = tpu.sem_alloc : memref<!tpu.dma_semaphore, #tpu.memory_space<semaphore_mem>>
      %dma_start3A_179 = arith.constant 7816 : i32
      %dma_start3A_180 = tpu.memref_slice %arg13[%dma_start3A_179] : memref<15632xf32, #tpu.memory_space<vmem>> -> memref<7816xf32, #tpu.memory_space<vmem>>
      %dma_start3A_181 = tpu.memref_slice %arg12[%add3A_55] : memref<1000000xf32, #tpu.memory_space<vmem_shared>> -> memref<7816xf32, #tpu.memory_space<vmem_shared>>
      %dma_start3A_182 = tpu.memref_slice %arg12[%add3A_55] : memref<1000000xf32, #tpu.memory_space<vmem_shared>> -> memref<7816xf32, #tpu.memory_space<vmem_shared>>
      %dma_start3A_183 = arith.constant 7816 : i32
      %dma_start3A_184 = tpu.memref_slice %arg13[%dma_start3A_183] : memref<15632xf32, #tpu.memory_space<vmem>> -> memref<7816xf32, #tpu.memory_space<vmem>>
      tpu.enqueue_dma source(%dma_start3A_184 : memref<7816xf32, #tpu.memory_space<vmem>>) target(%dma_start3A_182 : memref<7816xf32, #tpu.memory_space<vmem_shared>>) target_semaphore(%run_scoped3A : memref<!tpu.dma_semaphore, #tpu.memory_space<semaphore_mem>>)
      %dma_wait3A_185 = arith.constant 7816 : i32
      %dma_wait3A_186 = tpu.memref_slice %arg13[%dma_wait3A_185] : memref<15632xf32, #tpu.memory_space<vmem>> -> memref<7816xf32, #tpu.memory_space<vmem>>
      %dma_wait3A_187 = tpu.memref_slice %arg12[%add3A_55] : memref<1000000xf32, #tpu.memory_space<vmem_shared>> -> memref<7816xf32, #tpu.memory_space<vmem_shared>>
      %dma_wait3A_188 = tpu.memref_slice %arg12[%add3A_55] : memref<1000000xf32, #tpu.memory_space<vmem_shared>> -> memref<7816xf32, #tpu.memory_space<vmem_shared>>
      %dma_wait3A_189 = arith.constant 7816 : i32
      %dma_wait3A_190 = tpu.memref_slice %arg13[%dma_wait3A_189] : memref<15632xf32, #tpu.memory_space<vmem>> -> memref<7816xf32, #tpu.memory_space<vmem>>
      tpu.wait_dma2 semaphore(%run_scoped3A : memref<!tpu.dma_semaphore, #tpu.memory_space<semaphore_mem>>) src(%dma_wait3A_190 : memref<7816xf32, #tpu.memory_space<vmem>>) dst(%dma_wait3A_188 : memref<7816xf32, #tpu.memory_space<vmem_shared>>)
      tpu.yield
    }) : () -> ()
    %add3A_56 = arith.constant 15632 : i32
    %add3A_57 = arith.addi %multiple_of3A, %add3A_56 : i32
    %add3A_58 = arith.constant 7816 : i32
    %add3A_59 = arith.addi %add3A_57, %add3A_58 : i32
    %dma_start3A_60 = arith.constant 7816 : i32
    %dma_start3A_61 = tpu.memref_slice %arg13[%dma_start3A_60] : memref<15632xf32, #tpu.memory_space<vmem>> -> memref<7816xf32, #tpu.memory_space<vmem>>
    %dma_start3A_62 = tpu.memref_slice %arg4[%add3A_59] : memref<1000000xf32, #tpu.memory_space<hbm>> -> memref<7816xf32, #tpu.memory_space<hbm>>
    %dma_start3A_63 = arith.constant 7816 : i32
    %dma_start3A_64 = tpu.memref_slice %arg13[%dma_start3A_63] : memref<15632xf32, #tpu.memory_space<vmem>> -> memref<7816xf32, #tpu.memory_space<vmem>>
    %dma_start3A_65 = tpu.memref_slice %arg4[%add3A_59] : memref<1000000xf32, #tpu.memory_space<hbm>> -> memref<7816xf32, #tpu.memory_space<hbm>>
    tpu.enqueue_dma source(%dma_start3A_65 : memref<7816xf32, #tpu.memory_space<hbm>>) target(%dma_start3A_64 : memref<7816xf32, #tpu.memory_space<vmem>>) target_semaphore(%arg15 : memref<!tpu.dma_semaphore, #tpu.memory_space<semaphore_mem>>)
    %dma_wait3A_66 = arith.constant 0 : i32
    %dma_wait3A_67 = tpu.memref_slice %arg13[%dma_wait3A_66] : memref<15632xf32, #tpu.memory_space<vmem>> -> memref<7816xf32, #tpu.memory_space<vmem>>
    %dma_wait3A_68 = tpu.memref_slice %arg4[%add3A_41] : memref<1000000xf32, #tpu.memory_space<hbm>> -> memref<7816xf32, #tpu.memory_space<hbm>>
    %dma_wait3A_69 = arith.constant 0 : i32
    %dma_wait3A_70 = tpu.memref_slice %arg13[%dma_wait3A_69] : memref<15632xf32, #tpu.memory_space<vmem>> -> memref<7816xf32, #tpu.memory_space<vmem>>
    %dma_wait3A_71 = tpu.memref_slice %arg4[%add3A_41] : memref<1000000xf32, #tpu.memory_space<hbm>> -> memref<7816xf32, #tpu.memory_space<hbm>>
    tpu.wait_dma2 semaphore(%arg15 : memref<!tpu.dma_semaphore, #tpu.memory_space<semaphore_mem>>) src(%dma_wait3A_71 : memref<7816xf32, #tpu.memory_space<hbm>>) dst(%dma_wait3A_70 : memref<7816xf32, #tpu.memory_space<vmem>>)
    %add3A_72 = arith.constant 15632 : i32
    %add3A_73 = arith.addi %multiple_of3A, %add3A_72 : i32
    "tpu.region"() ({
      %run_scoped3A = tpu.sem_alloc : memref<!tpu.dma_semaphore, #tpu.memory_space<semaphore_mem>>
      %dma_start3A_179 = arith.constant 0 : i32
      %dma_start3A_180 = tpu.memref_slice %arg13[%dma_start3A_179] : memref<15632xf32, #tpu.memory_space<vmem>> -> memref<7816xf32, #tpu.memory_space<vmem>>
      %dma_start3A_181 = tpu.memref_slice %arg12[%add3A_73] : memref<1000000xf32, #tpu.memory_space<vmem_shared>> -> memref<7816xf32, #tpu.memory_space<vmem_shared>>
      %dma_start3A_182 = tpu.memref_slice %arg12[%add3A_73] : memref<1000000xf32, #tpu.memory_space<vmem_shared>> -> memref<7816xf32, #tpu.memory_space<vmem_shared>>
      %dma_start3A_183 = arith.constant 0 : i32
      %dma_start3A_184 = tpu.memref_slice %arg13[%dma_start3A_183] : memref<15632xf32, #tpu.memory_space<vmem>> -> memref<7816xf32, #tpu.memory_space<vmem>>
      tpu.enqueue_dma source(%dma_start3A_184 : memref<7816xf32, #tpu.memory_space<vmem>>) target(%dma_start3A_182 : memref<7816xf32, #tpu.memory_space<vmem_shared>>) target_semaphore(%run_scoped3A : memref<!tpu.dma_semaphore, #tpu.memory_space<semaphore_mem>>)
      %dma_wait3A_185 = arith.constant 0 : i32
      %dma_wait3A_186 = tpu.memref_slice %arg13[%dma_wait3A_185] : memref<15632xf32, #tpu.memory_space<vmem>> -> memref<7816xf32, #tpu.memory_space<vmem>>
      %dma_wait3A_187 = tpu.memref_slice %arg12[%add3A_73] : memref<1000000xf32, #tpu.memory_space<vmem_shared>> -> memref<7816xf32, #tpu.memory_space<vmem_shared>>
      %dma_wait3A_188 = tpu.memref_slice %arg12[%add3A_73] : memref<1000000xf32, #tpu.memory_space<vmem_shared>> -> memref<7816xf32, #tpu.memory_space<vmem_shared>>
      %dma_wait3A_189 = arith.constant 0 : i32
      %dma_wait3A_190 = tpu.memref_slice %arg13[%dma_wait3A_189] : memref<15632xf32, #tpu.memory_space<vmem>> -> memref<7816xf32, #tpu.memory_space<vmem>>
      tpu.wait_dma2 semaphore(%run_scoped3A : memref<!tpu.dma_semaphore, #tpu.memory_space<semaphore_mem>>) src(%dma_wait3A_190 : memref<7816xf32, #tpu.memory_space<vmem>>) dst(%dma_wait3A_188 : memref<7816xf32, #tpu.memory_space<vmem_shared>>)
      tpu.yield
    }) : () -> ()
    %add3A_74 = arith.constant 23448 : i32
    %add3A_75 = arith.addi %multiple_of3A, %add3A_74 : i32
    %add3A_76 = arith.constant 7816 : i32
    %add3A_77 = arith.addi %add3A_75, %add3A_76 : i32
    %dma_start3A_78 = arith.constant 0 : i32
    %dma_start3A_79 = tpu.memref_slice %arg13[%dma_start3A_78] : memref<15632xf32, #tpu.memory_space<vmem>> -> memref<7816xf32, #tpu.memory_space<vmem>>
    %dma_start3A_80 = tpu.memref_slice %arg4[%add3A_77] : memref<1000000xf32, #tpu.memory_space<hbm>> -> memref<7816xf32, #tpu.memory_space<hbm>>
    %dma_start3A_81 = arith.constant 0 : i32
    %dma_start3A_82 = tpu.memref_slice %arg13[%dma_start3A_81] : memref<15632xf32, #tpu.memory_space<vmem>> -> memref<7816xf32, #tpu.memory_space<vmem>>
    %dma_start3A_83 = tpu.memref_slice %arg4[%add3A_77] : memref<1000000xf32, #tpu.memory_space<hbm>> -> memref<7816xf32, #tpu.memory_space<hbm>>
    tpu.enqueue_dma source(%dma_start3A_83 : memref<7816xf32, #tpu.memory_space<hbm>>) target(%dma_start3A_82 : memref<7816xf32, #tpu.memory_space<vmem>>) target_semaphore(%arg15 : memref<!tpu.dma_semaphore, #tpu.memory_space<semaphore_mem>>)
    %dma_wait3A_84 = arith.constant 7816 : i32
    %dma_wait3A_85 = tpu.memref_slice %arg13[%dma_wait3A_84] : memref<15632xf32, #tpu.memory_space<vmem>> -> memref<7816xf32, #tpu.memory_space<vmem>>
    %dma_wait3A_86 = tpu.memref_slice %arg4[%add3A_59] : memref<1000000xf32, #tpu.memory_space<hbm>> -> memref<7816xf32, #tpu.memory_space<hbm>>
    %dma_wait3A_87 = arith.constant 7816 : i32
    %dma_wait3A_88 = tpu.memref_slice %arg13[%dma_wait3A_87] : memref<15632xf32, #tpu.memory_space<vmem>> -> memref<7816xf32, #tpu.memory_space<vmem>>
    %dma_wait3A_89 = tpu.memref_slice %arg4[%add3A_59] : memref<1000000xf32, #tpu.memory_space<hbm>> -> memref<7816xf32, #tpu.memory_space<hbm>>
    tpu.wait_dma2 semaphore(%arg15 : memref<!tpu.dma_semaphore, #tpu.memory_space<semaphore_mem>>) src(%dma_wait3A_89 : memref<7816xf32, #tpu.memory_space<hbm>>) dst(%dma_wait3A_88 : memref<7816xf32, #tpu.memory_space<vmem>>)
    %add3A_90 = arith.constant 23448 : i32
    %add3A_91 = arith.addi %multiple_of3A, %add3A_90 : i32
    "tpu.region"() ({
      %run_scoped3A = tpu.sem_alloc : memref<!tpu.dma_semaphore, #tpu.memory_space<semaphore_mem>>
      %dma_start3A_179 = arith.constant 7816 : i32
      %dma_start3A_180 = tpu.memref_slice %arg13[%dma_start3A_179] : memref<15632xf32, #tpu.memory_space<vmem>> -> memref<7816xf32, #tpu.memory_space<vmem>>
      %dma_start3A_181 = tpu.memref_slice %arg12[%add3A_91] : memref<1000000xf32, #tpu.memory_space<vmem_shared>> -> memref<7816xf32, #tpu.memory_space<vmem_shared>>
      %dma_start3A_182 = tpu.memref_slice %arg12[%add3A_91] : memref<1000000xf32, #tpu.memory_space<vmem_shared>> -> memref<7816xf32, #tpu.memory_space<vmem_shared>>
      %dma_start3A_183 = arith.constant 7816 : i32
      %dma_start3A_184 = tpu.memref_slice %arg13[%dma_start3A_183] : memref<15632xf32, #tpu.memory_space<vmem>> -> memref<7816xf32, #tpu.memory_space<vmem>>
      tpu.enqueue_dma source(%dma_start3A_184 : memref<7816xf32, #tpu.memory_space<vmem>>) target(%dma_start3A_182 : memref<7816xf32, #tpu.memory_space<vmem_shared>>) target_semaphore(%run_scoped3A : memref<!tpu.dma_semaphore, #tpu.memory_space<semaphore_mem>>)
      %dma_wait3A_185 = arith.constant 7816 : i32
      %dma_wait3A_186 = tpu.memref_slice %arg13[%dma_wait3A_185] : memref<15632xf32, #tpu.memory_space<vmem>> -> memref<7816xf32, #tpu.memory_space<vmem>>
      %dma_wait3A_187 = tpu.memref_slice %arg12[%add3A_91] : memref<1000000xf32, #tpu.memory_space<vmem_shared>> -> memref<7816xf32, #tpu.memory_space<vmem_shared>>
      %dma_wait3A_188 = tpu.memref_slice %arg12[%add3A_91] : memref<1000000xf32, #tpu.memory_space<vmem_shared>> -> memref<7816xf32, #tpu.memory_space<vmem_shared>>
      %dma_wait3A_189 = arith.constant 7816 : i32
      %dma_wait3A_190 = tpu.memref_slice %arg13[%dma_wait3A_189] : memref<15632xf32, #tpu.memory_space<vmem>> -> memref<7816xf32, #tpu.memory_space<vmem>>
      tpu.wait_dma2 semaphore(%run_scoped3A : memref<!tpu.dma_semaphore, #tpu.memory_space<semaphore_mem>>) src(%dma_wait3A_190 : memref<7816xf32, #tpu.memory_space<vmem>>) dst(%dma_wait3A_188 : memref<7816xf32, #tpu.memory_space<vmem_shared>>)
      tpu.yield
    }) : () -> ()
    %add3A_92 = arith.constant 31264 : i32
    %add3A_93 = arith.addi %multiple_of3A, %add3A_92 : i32
    %add3A_94 = arith.constant 7816 : i32
    %add3A_95 = arith.addi %add3A_93, %add3A_94 : i32
    %dma_start3A_96 = arith.constant 7816 : i32
    %dma_start3A_97 = tpu.memref_slice %arg13[%dma_start3A_96] : memref<15632xf32, #tpu.memory_space<vmem>> -> memref<7816xf32, #tpu.memory_space<vmem>>
    %dma_start3A_98 = tpu.memref_slice %arg4[%add3A_95] : memref<1000000xf32, #tpu.memory_space<hbm>> -> memref<7816xf32, #tpu.memory_space<hbm>>
    %dma_start3A_99 = arith.constant 7816 : i32
    %dma_start3A_100 = tpu.memref_slice %arg13[%dma_start3A_99] : memref<15632xf32, #tpu.memory_space<vmem>> -> memref<7816xf32, #tpu.memory_space<vmem>>
    %dma_start3A_101 = tpu.memref_slice %arg4[%add3A_95] : memref<1000000xf32, #tpu.memory_space<hbm>> -> memref<7816xf32, #tpu.memory_space<hbm>>
    tpu.enqueue_dma source(%dma_start3A_101 : memref<7816xf32, #tpu.memory_space<hbm>>) target(%dma_start3A_100 : memref<7816xf32, #tpu.memory_space<vmem>>) target_semaphore(%arg15 : memref<!tpu.dma_semaphore, #tpu.memory_space<semaphore_mem>>)
    %dma_wait3A_102 = arith.constant 0 : i32
    %dma_wait3A_103 = tpu.memref_slice %arg13[%dma_wait3A_102] : memref<15632xf32, #tpu.memory_space<vmem>> -> memref<7816xf32, #tpu.memory_space<vmem>>
    %dma_wait3A_104 = tpu.memref_slice %arg4[%add3A_77] : memref<1000000xf32, #tpu.memory_space<hbm>> -> memref<7816xf32, #tpu.memory_space<hbm>>
    %dma_wait3A_105 = arith.constant 0 : i32
    %dma_wait3A_106 = tpu.memref_slice %arg13[%dma_wait3A_105] : memref<15632xf32, #tpu.memory_space<vmem>> -> memref<7816xf32, #tpu.memory_space<vmem>>
    %dma_wait3A_107 = tpu.memref_slice %arg4[%add3A_77] : memref<1000000xf32, #tpu.memory_space<hbm>> -> memref<7816xf32, #tpu.memory_space<hbm>>
    tpu.wait_dma2 semaphore(%arg15 : memref<!tpu.dma_semaphore, #tpu.memory_space<semaphore_mem>>) src(%dma_wait3A_107 : memref<7816xf32, #tpu.memory_space<hbm>>) dst(%dma_wait3A_106 : memref<7816xf32, #tpu.memory_space<vmem>>)
    %add3A_108 = arith.constant 31264 : i32
    %add3A_109 = arith.addi %multiple_of3A, %add3A_108 : i32
    "tpu.region"() ({
      %run_scoped3A = tpu.sem_alloc : memref<!tpu.dma_semaphore, #tpu.memory_space<semaphore_mem>>
      %dma_start3A_179 = arith.constant 0 : i32
      %dma_start3A_180 = tpu.memref_slice %arg13[%dma_start3A_179] : memref<15632xf32, #tpu.memory_space<vmem>> -> memref<7816xf32, #tpu.memory_space<vmem>>
      %dma_start3A_181 = tpu.memref_slice %arg12[%add3A_109] : memref<1000000xf32, #tpu.memory_space<vmem_shared>> -> memref<7816xf32, #tpu.memory_space<vmem_shared>>
      %dma_start3A_182 = tpu.memref_slice %arg12[%add3A_109] : memref<1000000xf32, #tpu.memory_space<vmem_shared>> -> memref<7816xf32, #tpu.memory_space<vmem_shared>>
      %dma_start3A_183 = arith.constant 0 : i32
      %dma_start3A_184 = tpu.memref_slice %arg13[%dma_start3A_183] : memref<15632xf32, #tpu.memory_space<vmem>> -> memref<7816xf32, #tpu.memory_space<vmem>>
      tpu.enqueue_dma source(%dma_start3A_184 : memref<7816xf32, #tpu.memory_space<vmem>>) target(%dma_start3A_182 : memref<7816xf32, #tpu.memory_space<vmem_shared>>) target_semaphore(%run_scoped3A : memref<!tpu.dma_semaphore, #tpu.memory_space<semaphore_mem>>)
      %dma_wait3A_185 = arith.constant 0 : i32
      %dma_wait3A_186 = tpu.memref_slice %arg13[%dma_wait3A_185] : memref<15632xf32, #tpu.memory_space<vmem>> -> memref<7816xf32, #tpu.memory_space<vmem>>
      %dma_wait3A_187 = tpu.memref_slice %arg12[%add3A_109] : memref<1000000xf32, #tpu.memory_space<vmem_shared>> -> memref<7816xf32, #tpu.memory_space<vmem_shared>>
      %dma_wait3A_188 = tpu.memref_slice %arg12[%add3A_109] : memref<1000000xf32, #tpu.memory_space<vmem_shared>> -> memref<7816xf32, #tpu.memory_space<vmem_shared>>
      %dma_wait3A_189 = arith.constant 0 : i32
      %dma_wait3A_190 = tpu.memref_slice %arg13[%dma_wait3A_189] : memref<15632xf32, #tpu.memory_space<vmem>> -> memref<7816xf32, #tpu.memory_space<vmem>>
      tpu.wait_dma2 semaphore(%run_scoped3A : memref<!tpu.dma_semaphore, #tpu.memory_space<semaphore_mem>>) src(%dma_wait3A_190 : memref<7816xf32, #tpu.memory_space<vmem>>) dst(%dma_wait3A_188 : memref<7816xf32, #tpu.memory_space<vmem_shared>>)
      tpu.yield
    }) : () -> ()
    %add3A_110 = arith.constant 39080 : i32
    %add3A_111 = arith.addi %multiple_of3A, %add3A_110 : i32
    %add3A_112 = arith.constant 7816 : i32
    %add3A_113 = arith.addi %add3A_111, %add3A_112 : i32
    %dma_start3A_114 = arith.constant 0 : i32
    %dma_start3A_115 = tpu.memref_slice %arg13[%dma_start3A_114] : memref<15632xf32, #tpu.memory_space<vmem>> -> memref<7816xf32, #tpu.memory_space<vmem>>
    %dma_start3A_116 = tpu.memref_slice %arg4[%add3A_113] : memref<1000000xf32, #tpu.memory_space<hbm>> -> memref<7816xf32, #tpu.memory_space<hbm>>
    %dma_start3A_117 = arith.constant 0 : i32
    %dma_start3A_118 = tpu.memref_slice %arg13[%dma_start3A_117] : memref<15632xf32, #tpu.memory_space<vmem>> -> memref<7816xf32, #tpu.memory_space<vmem>>
    %dma_start3A_119 = tpu.memref_slice %arg4[%add3A_113] : memref<1000000xf32, #tpu.memory_space<hbm>> -> memref<7816xf32, #tpu.memory_space<hbm>>
    tpu.enqueue_dma source(%dma_start3A_119 : memref<7816xf32, #tpu.memory_space<hbm>>) target(%dma_start3A_118 : memref<7816xf32, #tpu.memory_space<vmem>>) target_semaphore(%arg15 : memref<!tpu.dma_semaphore, #tpu.memory_space<semaphore_mem>>)
    %dma_wait3A_120 = arith.constant 7816 : i32
    %dma_wait3A_121 = tpu.memref_slice %arg13[%dma_wait3A_120] : memref<15632xf32, #tpu.memory_space<vmem>> -> memref<7816xf32, #tpu.memory_space<vmem>>
    %dma_wait3A_122 = tpu.memref_slice %arg4[%add3A_95] : memref<1000000xf32, #tpu.memory_space<hbm>> -> memref<7816xf32, #tpu.memory_space<hbm>>
    %dma_wait3A_123 = arith.constant 7816 : i32
    %dma_wait3A_124 = tpu.memref_slice %arg13[%dma_wait3A_123] : memref<15632xf32, #tpu.memory_space<vmem>> -> memref<7816xf32, #tpu.memory_space<vmem>>
    %dma_wait3A_125 = tpu.memref_slice %arg4[%add3A_95] : memref<1000000xf32, #tpu.memory_space<hbm>> -> memref<7816xf32, #tpu.memory_space<hbm>>
    tpu.wait_dma2 semaphore(%arg15 : memref<!tpu.dma_semaphore, #tpu.memory_space<semaphore_mem>>) src(%dma_wait3A_125 : memref<7816xf32, #tpu.memory_space<hbm>>) dst(%dma_wait3A_124 : memref<7816xf32, #tpu.memory_space<vmem>>)
    %add3A_126 = arith.constant 39080 : i32
    %add3A_127 = arith.addi %multiple_of3A, %add3A_126 : i32
    "tpu.region"() ({
      %run_scoped3A = tpu.sem_alloc : memref<!tpu.dma_semaphore, #tpu.memory_space<semaphore_mem>>
      %dma_start3A_179 = arith.constant 7816 : i32
      %dma_start3A_180 = tpu.memref_slice %arg13[%dma_start3A_179] : memref<15632xf32, #tpu.memory_space<vmem>> -> memref<7816xf32, #tpu.memory_space<vmem>>
      %dma_start3A_181 = tpu.memref_slice %arg12[%add3A_127] : memref<1000000xf32, #tpu.memory_space<vmem_shared>> -> memref<7816xf32, #tpu.memory_space<vmem_shared>>
      %dma_start3A_182 = tpu.memref_slice %arg12[%add3A_127] : memref<1000000xf32, #tpu.memory_space<vmem_shared>> -> memref<7816xf32, #tpu.memory_space<vmem_shared>>
      %dma_start3A_183 = arith.constant 7816 : i32
      %dma_start3A_184 = tpu.memref_slice %arg13[%dma_start3A_183] : memref<15632xf32, #tpu.memory_space<vmem>> -> memref<7816xf32, #tpu.memory_space<vmem>>
      tpu.enqueue_dma source(%dma_start3A_184 : memref<7816xf32, #tpu.memory_space<vmem>>) target(%dma_start3A_182 : memref<7816xf32, #tpu.memory_space<vmem_shared>>) target_semaphore(%run_scoped3A : memref<!tpu.dma_semaphore, #tpu.memory_space<semaphore_mem>>)
      %dma_wait3A_185 = arith.constant 7816 : i32
      %dma_wait3A_186 = tpu.memref_slice %arg13[%dma_wait3A_185] : memref<15632xf32, #tpu.memory_space<vmem>> -> memref<7816xf32, #tpu.memory_space<vmem>>
      %dma_wait3A_187 = tpu.memref_slice %arg12[%add3A_127] : memref<1000000xf32, #tpu.memory_space<vmem_shared>> -> memref<7816xf32, #tpu.memory_space<vmem_shared>>
      %dma_wait3A_188 = tpu.memref_slice %arg12[%add3A_127] : memref<1000000xf32, #tpu.memory_space<vmem_shared>> -> memref<7816xf32, #tpu.memory_space<vmem_shared>>
      %dma_wait3A_189 = arith.constant 7816 : i32
      %dma_wait3A_190 = tpu.memref_slice %arg13[%dma_wait3A_189] : memref<15632xf32, #tpu.memory_space<vmem>> -> memref<7816xf32, #tpu.memory_space<vmem>>
      tpu.wait_dma2 semaphore(%run_scoped3A : memref<!tpu.dma_semaphore, #tpu.memory_space<semaphore_mem>>) src(%dma_wait3A_190 : memref<7816xf32, #tpu.memory_space<vmem>>) dst(%dma_wait3A_188 : memref<7816xf32, #tpu.memory_space<vmem_shared>>)
      tpu.yield
    }) : () -> ()
    %add3A_128 = arith.constant 46896 : i32
    %add3A_129 = arith.addi %multiple_of3A, %add3A_128 : i32
    %add3A_130 = arith.constant 7816 : i32
    %add3A_131 = arith.addi %add3A_129, %add3A_130 : i32
    %dma_start3A_132 = arith.constant 7816 : i32
    %dma_start3A_133 = tpu.memref_slice %arg13[%dma_start3A_132] : memref<15632xf32, #tpu.memory_space<vmem>> -> memref<7792xf32, #tpu.memory_space<vmem>>
    %dma_start3A_134 = tpu.memref_slice %arg4[%add3A_131] : memref<1000000xf32, #tpu.memory_space<hbm>> -> memref<7792xf32, #tpu.memory_space<hbm>>
    %dma_start3A_135 = arith.constant 7816 : i32
    %dma_start3A_136 = tpu.memref_slice %arg13[%dma_start3A_135] : memref<15632xf32, #tpu.memory_space<vmem>> -> memref<7792xf32, #tpu.memory_space<vmem>>
    %dma_start3A_137 = tpu.memref_slice %arg4[%add3A_131] : memref<1000000xf32, #tpu.memory_space<hbm>> -> memref<7792xf32, #tpu.memory_space<hbm>>
    tpu.enqueue_dma source(%dma_start3A_137 : memref<7792xf32, #tpu.memory_space<hbm>>) target(%dma_start3A_136 : memref<7792xf32, #tpu.memory_space<vmem>>) target_semaphore(%arg15 : memref<!tpu.dma_semaphore, #tpu.memory_space<semaphore_mem>>)
    %dma_wait3A_138 = arith.constant 0 : i32
    %dma_wait3A_139 = tpu.memref_slice %arg13[%dma_wait3A_138] : memref<15632xf32, #tpu.memory_space<vmem>> -> memref<7816xf32, #tpu.memory_space<vmem>>
    %dma_wait3A_140 = tpu.memref_slice %arg4[%add3A_113] : memref<1000000xf32, #tpu.memory_space<hbm>> -> memref<7816xf32, #tpu.memory_space<hbm>>
    %dma_wait3A_141 = arith.constant 0 : i32
    %dma_wait3A_142 = tpu.memref_slice %arg13[%dma_wait3A_141] : memref<15632xf32, #tpu.memory_space<vmem>> -> memref<7816xf32, #tpu.memory_space<vmem>>
    %dma_wait3A_143 = tpu.memref_slice %arg4[%add3A_113] : memref<1000000xf32, #tpu.memory_space<hbm>> -> memref<7816xf32, #tpu.memory_space<hbm>>
    tpu.wait_dma2 semaphore(%arg15 : memref<!tpu.dma_semaphore, #tpu.memory_space<semaphore_mem>>) src(%dma_wait3A_143 : memref<7816xf32, #tpu.memory_space<hbm>>) dst(%dma_wait3A_142 : memref<7816xf32, #tpu.memory_space<vmem>>)
    %add3A_144 = arith.constant 46896 : i32
    %add3A_145 = arith.addi %multiple_of3A, %add3A_144 : i32
    "tpu.region"() ({
      %run_scoped3A = tpu.sem_alloc : memref<!tpu.dma_semaphore, #tpu.memory_space<semaphore_mem>>
      %dma_start3A_179 = arith.constant 0 : i32
      %dma_start3A_180 = tpu.memref_slice %arg13[%dma_start3A_179] : memref<15632xf32, #tpu.memory_space<vmem>> -> memref<7816xf32, #tpu.memory_space<vmem>>
      %dma_start3A_181 = tpu.memref_slice %arg12[%add3A_145] : memref<1000000xf32, #tpu.memory_space<vmem_shared>> -> memref<7816xf32, #tpu.memory_space<vmem_shared>>
      %dma_start3A_182 = tpu.memref_slice %arg12[%add3A_145] : memref<1000000xf32, #tpu.memory_space<vmem_shared>> -> memref<7816xf32, #tpu.memory_space<vmem_shared>>
      %dma_start3A_183 = arith.constant 0 : i32
      %dma_start3A_184 = tpu.memref_slice %arg13[%dma_start3A_183] : memref<15632xf32, #tpu.memory_space<vmem>> -> memref<7816xf32, #tpu.memory_space<vmem>>
      tpu.enqueue_dma source(%dma_start3A_184 : memref<7816xf32, #tpu.memory_space<vmem>>) target(%dma_start3A_182 : memref<7816xf32, #tpu.memory_space<vmem_shared>>) target_semaphore(%run_scoped3A : memref<!tpu.dma_semaphore, #tpu.memory_space<semaphore_mem>>)
      %dma_wait3A_185 = arith.constant 0 : i32
      %dma_wait3A_186 = tpu.memref_slice %arg13[%dma_wait3A_185] : memref<15632xf32, #tpu.memory_space<vmem>> -> memref<7816xf32, #tpu.memory_space<vmem>>
      %dma_wait3A_187 = tpu.memref_slice %arg12[%add3A_145] : memref<1000000xf32, #tpu.memory_space<vmem_shared>> -> memref<7816xf32, #tpu.memory_space<vmem_shared>>
      %dma_wait3A_188 = tpu.memref_slice %arg12[%add3A_145] : memref<1000000xf32, #tpu.memory_space<vmem_shared>> -> memref<7816xf32, #tpu.memory_space<vmem_shared>>
      %dma_wait3A_189 = arith.constant 0 : i32
      %dma_wait3A_190 = tpu.memref_slice %arg13[%dma_wait3A_189] : memref<15632xf32, #tpu.memory_space<vmem>> -> memref<7816xf32, #tpu.memory_space<vmem>>
      tpu.wait_dma2 semaphore(%run_scoped3A : memref<!tpu.dma_semaphore, #tpu.memory_space<semaphore_mem>>) src(%dma_wait3A_190 : memref<7816xf32, #tpu.memory_space<vmem>>) dst(%dma_wait3A_188 : memref<7816xf32, #tpu.memory_space<vmem_shared>>)
      tpu.yield
    }) : () -> ()
    %dma_wait3A_146 = arith.constant 7816 : i32
    %dma_wait3A_147 = tpu.memref_slice %arg13[%dma_wait3A_146] : memref<15632xf32, #tpu.memory_space<vmem>> -> memref<7792xf32, #tpu.memory_space<vmem>>
    %dma_wait3A_148 = tpu.memref_slice %arg4[%add3A_131] : memref<1000000xf32, #tpu.memory_space<hbm>> -> memref<7792xf32, #tpu.memory_space<hbm>>
    %dma_wait3A_149 = arith.constant 7816 : i32
    %dma_wait3A_150 = tpu.memref_slice %arg13[%dma_wait3A_149] : memref<15632xf32, #tpu.memory_space<vmem>> -> memref<7792xf32, #tpu.memory_space<vmem>>
    %dma_wait3A_151 = tpu.memref_slice %arg4[%add3A_131] : memref<1000000xf32, #tpu.memory_space<hbm>> -> memref<7792xf32, #tpu.memory_space<hbm>>
    tpu.wait_dma2 semaphore(%arg15 : memref<!tpu.dma_semaphore, #tpu.memory_space<semaphore_mem>>) src(%dma_wait3A_151 : memref<7792xf32, #tpu.memory_space<hbm>>) dst(%dma_wait3A_150 : memref<7792xf32, #tpu.memory_space<vmem>>)
    %add3A_152 = arith.constant 54712 : i32
    %add3A_153 = arith.addi %multiple_of3A, %add3A_152 : i32
    "tpu.region"() ({
      %run_scoped3A = tpu.sem_alloc : memref<!tpu.dma_semaphore, #tpu.memory_space<semaphore_mem>>
      %dma_start3A_179 = arith.constant 7816 : i32
      %dma_start3A_180 = tpu.memref_slice %arg13[%dma_start3A_179] : memref<15632xf32, #tpu.memory_space<vmem>> -> memref<7792xf32, #tpu.memory_space<vmem>>
      %dma_start3A_181 = tpu.memref_slice %arg12[%add3A_153] : memref<1000000xf32, #tpu.memory_space<vmem_shared>> -> memref<7792xf32, #tpu.memory_space<vmem_shared>>
      %dma_start3A_182 = tpu.memref_slice %arg12[%add3A_153] : memref<1000000xf32, #tpu.memory_space<vmem_shared>> -> memref<7792xf32, #tpu.memory_space<vmem_shared>>
      %dma_start3A_183 = arith.constant 7816 : i32
      %dma_start3A_184 = tpu.memref_slice %arg13[%dma_start3A_183] : memref<15632xf32, #tpu.memory_space<vmem>> -> memref<7792xf32, #tpu.memory_space<vmem>>
      tpu.enqueue_dma source(%dma_start3A_184 : memref<7792xf32, #tpu.memory_space<vmem>>) target(%dma_start3A_182 : memref<7792xf32, #tpu.memory_space<vmem_shared>>) target_semaphore(%run_scoped3A : memref<!tpu.dma_semaphore, #tpu.memory_space<semaphore_mem>>)
      %dma_wait3A_185 = arith.constant 7816 : i32
      %dma_wait3A_186 = tpu.memref_slice %arg13[%dma_wait3A_185] : memref<15632xf32, #tpu.memory_space<vmem>> -> memref<7792xf32, #tpu.memory_space<vmem>>
      %dma_wait3A_187 = tpu.memref_slice %arg12[%add3A_153] : memref<1000000xf32, #tpu.memory_space<vmem_shared>> -> memref<7792xf32, #tpu.memory_space<vmem_shared>>
      %dma_wait3A_188 = tpu.memref_slice %arg12[%add3A_153] : memref<1000000xf32, #tpu.memory_space<vmem_shared>> -> memref<7792xf32, #tpu.memory_space<vmem_shared>>
      %dma_wait3A_189 = arith.constant 7816 : i32
      %dma_wait3A_190 = tpu.memref_slice %arg13[%dma_wait3A_189] : memref<15632xf32, #tpu.memory_space<vmem>> -> memref<7792xf32, #tpu.memory_space<vmem>>
      tpu.wait_dma2 semaphore(%run_scoped3A : memref<!tpu.dma_semaphore, #tpu.memory_space<semaphore_mem>>) src(%dma_wait3A_190 : memref<7792xf32, #tpu.memory_space<vmem>>) dst(%dma_wait3A_188 : memref<7792xf32, #tpu.memory_space<vmem_shared>>)
      tpu.yield
    }) : () -> ()
    %dma_wait3A_154 = arith.constant 0 : i32
    %dma_wait3A_155 = tpu.memref_slice %arg2[%add3A, %dma_wait3A_154] : memref<32x13312xi32, #tpu.memory_space<hbm>> -> memref<1x13312xi32, #tpu.memory_space<hbm>>
    %dma_wait3A_156 = tpu.memref_squeeze %dma_wait3A_155 : memref<1x13312xi32, #tpu.memory_space<hbm>> -> memref<13312xi32, #tpu.memory_space<hbm>>
    %dma_wait3A_157 = arith.constant 0 : i32
    %dma_wait3A_158 = tpu.memref_slice %arg2[%add3A, %dma_wait3A_157] : memref<32x13312xi32, #tpu.memory_space<hbm>> -> memref<1x13312xi32, #tpu.memory_space<hbm>>
    %dma_wait3A_159 = tpu.memref_squeeze %dma_wait3A_158 : memref<1x13312xi32, #tpu.memory_space<hbm>> -> memref<13312xi32, #tpu.memory_space<hbm>>
    tpu.wait_dma2 semaphore(%arg16 : memref<!tpu.dma_semaphore, #tpu.memory_space<semaphore_mem>>) src(%dma_wait3A_159 : memref<13312xi32, #tpu.memory_space<hbm>>) dst(%arg7 : memref<13312xi32, #tpu.memory_space<vmem>>)
    %barrier3A = arith.constant 0 : index
    tpu.barrier barrier_id(%barrier3A)
    %dma_start3A_160 = arith.constant 0 : i32
    %dma_start3A_161 = tpu.memref_slice %arg12[%dma_start3A_160] : memref<1000000xf32, #tpu.memory_space<vmem_shared>> -> memref<1000000xf32, #tpu.memory_space<vmem_shared>>
    tpu.enqueue_indirect_dma source(%dma_start3A_161 : memref<1000000xf32, #tpu.memory_space<vmem_shared>>) target(%arg8 : memref<13312xf32, #tpu.memory_space<vmem>>) offsets(%arg7 : memref<13312xi32, #tpu.memory_space<vmem>>) semaphore(%arg14 : memref<!tpu.dma_semaphore, #tpu.memory_space<semaphore_mem>>)
    %dma_wait3A_162 = arith.constant 0 : i32
    %dma_wait3A_163 = tpu.memref_slice %arg3[%add3A, %dma_wait3A_162] : memref<32x6656xf32, #tpu.memory_space<hbm>> -> memref<1x6656xf32, #tpu.memory_space<hbm>>
    %dma_wait3A_164 = tpu.memref_squeeze %dma_wait3A_163 : memref<1x6656xf32, #tpu.memory_space<hbm>> -> memref<6656xf32, #tpu.memory_space<hbm>>
    %dma_wait3A_165 = arith.constant 0 : i32
    %dma_wait3A_166 = tpu.memref_slice %arg3[%add3A, %dma_wait3A_165] : memref<32x6656xf32, #tpu.memory_space<hbm>> -> memref<1x6656xf32, #tpu.memory_space<hbm>>
    %dma_wait3A_167 = tpu.memref_squeeze %dma_wait3A_166 : memref<1x6656xf32, #tpu.memory_space<hbm>> -> memref<6656xf32, #tpu.memory_space<hbm>>
    tpu.wait_dma2 semaphore(%arg16 : memref<!tpu.dma_semaphore, #tpu.memory_space<semaphore_mem>>) src(%dma_wait3A_167 : memref<6656xf32, #tpu.memory_space<hbm>>) dst(%arg9 : memref<6656xf32, #tpu.memory_space<vmem>>)
    tpu.wait_dma2 semaphore(%arg16 : memref<!tpu.dma_semaphore, #tpu.memory_space<semaphore_mem>>) src(%arg5 : memref<224xf32, #tpu.memory_space<hbm>>) dst(%arg11 : memref<224xf32, #tpu.memory_space<vmem>>)
    %dma_wait3A_168 = arith.constant 0 : i32
    %dma_wait3A_169 = tpu.memref_slice %arg12[%dma_wait3A_168] : memref<1000000xf32, #tpu.memory_space<vmem_shared>> -> memref<1000000xf32, #tpu.memory_space<vmem_shared>>
    tpu.wait_indirect_dma semaphore(%arg14 : memref<!tpu.dma_semaphore, #tpu.memory_space<semaphore_mem>>) src(%dma_wait3A_169 : memref<1000000xf32, #tpu.memory_space<vmem_shared>>) dst(%arg8 : memref<13312xf32, #tpu.memory_space<vmem>>)
    %get3A = arith.constant 208 : index
    %get3A_170 = tpu.vector_load %arg11[%get3A] {strides = array<i32>} : memref<224xf32, #tpu.memory_space<vmem>>, vector<16xf32>,
    %get3A_171 = vector.shape_cast %get3A_170 : vector<16xf32> to vector<16xf32>
    %scan3A = arith.constant 0 : i32
    %scan3A_172 = arith.constant 0 : i32
    %scan3A_173 = arith.constant 32 : i32
    %scan3A_174 = arith.addi %scan3A_172, %scan3A_173 : i32
    %scan3A_175 = arith.constant 1 : i32
    scf.for %scan3A_179 = %scan3A_172 to %scan3A_174 step %scan3A_175  : i32 {
      %mul3A_180 = arith.constant 16 : i32
      %mul3A_181 = arith.muli %scan3A_179, %mul3A_180 : i32
      %add3A_182 = arith.constant 0 : i32
      %add3A_183 = arith.addi %add3A_182, %mul3A_181 : i32
      %get3A_184 = arith.index_cast %add3A_183 : i32 to index
      %get3A_185 = tpu.vector_load %arg8[%get3A_184] {strides = array<i32>} : memref<13312xf32, #tpu.memory_space<vmem>>, vector<16xf32>,
      %get3A_186 = vector.shape_cast %get3A_185 : vector<16xf32> to vector<16xf32>
      %add3A_187 = arith.addf %get3A_171, %get3A_186 : vector<16xf32>
      %add3A_188 = arith.constant 512 : i32
      %add3A_189 = arith.addi %add3A_188, %mul3A_181 : i32
      %get3A_190 = arith.index_cast %add3A_189 : i32 to index
      %get3A_191 = tpu.vector_load %arg8[%get3A_190] {strides = array<i32>} : memref<13312xf32, #tpu.memory_space<vmem>>, vector<16xf32>,
      %get3A_192 = vector.shape_cast %get3A_191 : vector<16xf32> to vector<16xf32>
      %add3A_193 = arith.addf %add3A_187, %get3A_192 : vector<16xf32>
      %add3A_194 = arith.constant 1024 : i32
      %add3A_195 = arith.addi %add3A_194, %mul3A_181 : i32
      %get3A_196 = arith.index_cast %add3A_195 : i32 to index
      %get3A_197 = tpu.vector_load %arg8[%get3A_196] {strides = array<i32>} : memref<13312xf32, #tpu.memory_space<vmem>>, vector<16xf32>,
      %get3A_198 = vector.shape_cast %get3A_197 : vector<16xf32> to vector<16xf32>
      %add3A_199 = arith.addf %add3A_193, %get3A_198 : vector<16xf32>
      %add3A_200 = arith.constant 1536 : i32
      %add3A_201 = arith.addi %add3A_200, %mul3A_181 : i32
      %get3A_202 = arith.index_cast %add3A_201 : i32 to index
      %get3A_203 = tpu.vector_load %arg8[%get3A_202] {strides = array<i32>} : memref<13312xf32, #tpu.memory_space<vmem>>, vector<16xf32>,
      %get3A_204 = vector.shape_cast %get3A_203 : vector<16xf32> to vector<16xf32>
      %add3A_205 = arith.addf %add3A_199, %get3A_204 : vector<16xf32>
      %add3A_206 = arith.constant 2048 : i32
      %add3A_207 = arith.addi %add3A_206, %mul3A_181 : i32
      %get3A_208 = arith.index_cast %add3A_207 : i32 to index
      %get3A_209 = tpu.vector_load %arg8[%get3A_208] {strides = array<i32>} : memref<13312xf32, #tpu.memory_space<vmem>>, vector<16xf32>,
      %get3A_210 = vector.shape_cast %get3A_209 : vector<16xf32> to vector<16xf32>
      %add3A_211 = arith.addf %add3A_205, %get3A_210 : vector<16xf32>
      %add3A_212 = arith.constant 2560 : i32
      %add3A_213 = arith.addi %add3A_212, %mul3A_181 : i32
      %get3A_214 = arith.index_cast %add3A_213 : i32 to index
      %get3A_215 = tpu.vector_load %arg8[%get3A_214] {strides = array<i32>} : memref<13312xf32, #tpu.memory_space<vmem>>, vector<16xf32>,
      %get3A_216 = vector.shape_cast %get3A_215 : vector<16xf32> to vector<16xf32>
      %add3A_217 = arith.addf %add3A_211, %get3A_216 : vector<16xf32>
      %add3A_218 = arith.constant 3072 : i32
      %add3A_219 = arith.addi %add3A_218, %mul3A_181 : i32
      %get3A_220 = arith.index_cast %add3A_219 : i32 to index
      %get3A_221 = tpu.vector_load %arg8[%get3A_220] {strides = array<i32>} : memref<13312xf32, #tpu.memory_space<vmem>>, vector<16xf32>,
      %get3A_222 = vector.shape_cast %get3A_221 : vector<16xf32> to vector<16xf32>
      %add3A_223 = arith.addf %add3A_217, %get3A_222 : vector<16xf32>
      %add3A_224 = arith.constant 3584 : i32
      %add3A_225 = arith.addi %add3A_224, %mul3A_181 : i32
      %get3A_226 = arith.index_cast %add3A_225 : i32 to index
      %get3A_227 = tpu.vector_load %arg8[%get3A_226] {strides = array<i32>} : memref<13312xf32, #tpu.memory_space<vmem>>, vector<16xf32>,
      %get3A_228 = vector.shape_cast %get3A_227 : vector<16xf32> to vector<16xf32>
      %add3A_229 = arith.addf %add3A_223, %get3A_228 : vector<16xf32>
      %add3A_230 = arith.constant 4096 : i32
      %add3A_231 = arith.addi %add3A_230, %mul3A_181 : i32
      %get3A_232 = arith.index_cast %add3A_231 : i32 to index
      %get3A_233 = tpu.vector_load %arg8[%get3A_232] {strides = array<i32>} : memref<13312xf32, #tpu.memory_space<vmem>>, vector<16xf32>,
      %get3A_234 = vector.shape_cast %get3A_233 : vector<16xf32> to vector<16xf32>
      %add3A_235 = arith.addf %add3A_229, %get3A_234 : vector<16xf32>
      %add3A_236 = arith.constant 4608 : i32
      %add3A_237 = arith.addi %add3A_236, %mul3A_181 : i32
      %get3A_238 = arith.index_cast %add3A_237 : i32 to index
      %get3A_239 = tpu.vector_load %arg8[%get3A_238] {strides = array<i32>} : memref<13312xf32, #tpu.memory_space<vmem>>, vector<16xf32>,
      %get3A_240 = vector.shape_cast %get3A_239 : vector<16xf32> to vector<16xf32>
      %add3A_241 = arith.addf %add3A_235, %get3A_240 : vector<16xf32>
      %add3A_242 = arith.constant 5120 : i32
      %add3A_243 = arith.addi %add3A_242, %mul3A_181 : i32
      %get3A_244 = arith.index_cast %add3A_243 : i32 to index
      %get3A_245 = tpu.vector_load %arg8[%get3A_244] {strides = array<i32>} : memref<13312xf32, #tpu.memory_space<vmem>>, vector<16xf32>,
      %get3A_246 = vector.shape_cast %get3A_245 : vector<16xf32> to vector<16xf32>
      %add3A_247 = arith.addf %add3A_241, %get3A_246 : vector<16xf32>
      %add3A_248 = arith.constant 5632 : i32
      %add3A_249 = arith.addi %add3A_248, %mul3A_181 : i32
      %get3A_250 = arith.index_cast %add3A_249 : i32 to index
      %get3A_251 = tpu.vector_load %arg8[%get3A_250] {strides = array<i32>} : memref<13312xf32, #tpu.memory_space<vmem>>, vector<16xf32>,
      %get3A_252 = vector.shape_cast %get3A_251 : vector<16xf32> to vector<16xf32>
      %add3A_253 = arith.addf %add3A_247, %get3A_252 : vector<16xf32>
      %add3A_254 = arith.constant 6144 : i32
      %add3A_255 = arith.addi %add3A_254, %mul3A_181 : i32
      %get3A_256 = arith.index_cast %add3A_255 : i32 to index
      %get3A_257 = tpu.vector_load %arg8[%get3A_256] {strides = array<i32>} : memref<13312xf32, #tpu.memory_space<vmem>>, vector<16xf32>,
      %get3A_258 = vector.shape_cast %get3A_257 : vector<16xf32> to vector<16xf32>
      %add3A_259 = arith.addf %add3A_253, %get3A_258 : vector<16xf32>
      %add3A_260 = arith.constant 6656 : i32
      %add3A_261 = arith.addi %add3A_260, %mul3A_181 : i32
      %get3A_262 = arith.index_cast %add3A_261 : i32 to index
      %get3A_263 = tpu.vector_load %arg8[%get3A_262] {strides = array<i32>} : memref<13312xf32, #tpu.memory_space<vmem>>, vector<16xf32>,
      %get3A_264 = vector.shape_cast %get3A_263 : vector<16xf32> to vector<16xf32>
      %add3A_265 = arith.addf %add3A_259, %get3A_264 : vector<16xf32>
      %add3A_266 = arith.constant 7168 : i32
      %add3A_267 = arith.addi %add3A_266, %mul3A_181 : i32
      %get3A_268 = arith.index_cast %add3A_267 : i32 to index
      %get3A_269 = tpu.vector_load %arg8[%get3A_268] {strides = array<i32>} : memref<13312xf32, #tpu.memory_space<vmem>>, vector<16xf32>,
      %get3A_270 = vector.shape_cast %get3A_269 : vector<16xf32> to vector<16xf32>
      %add3A_271 = arith.addf %add3A_265, %get3A_270 : vector<16xf32>
      %add3A_272 = arith.constant 7680 : i32
      %add3A_273 = arith.addi %add3A_272, %mul3A_181 : i32
      %get3A_274 = arith.index_cast %add3A_273 : i32 to index
      %get3A_275 = tpu.vector_load %arg8[%get3A_274] {strides = array<i32>} : memref<13312xf32, #tpu.memory_space<vmem>>, vector<16xf32>,
      %get3A_276 = vector.shape_cast %get3A_275 : vector<16xf32> to vector<16xf32>
      %add3A_277 = arith.addf %add3A_271, %get3A_276 : vector<16xf32>
      %add3A_278 = arith.constant 8192 : i32
      %add3A_279 = arith.addi %add3A_278, %mul3A_181 : i32
      %get3A_280 = arith.index_cast %add3A_279 : i32 to index
      %get3A_281 = tpu.vector_load %arg8[%get3A_280] {strides = array<i32>} : memref<13312xf32, #tpu.memory_space<vmem>>, vector<16xf32>,
      %get3A_282 = vector.shape_cast %get3A_281 : vector<16xf32> to vector<16xf32>
      %add3A_283 = arith.addf %add3A_277, %get3A_282 : vector<16xf32>
      %add3A_284 = arith.constant 8704 : i32
      %add3A_285 = arith.addi %add3A_284, %mul3A_181 : i32
      %get3A_286 = arith.index_cast %add3A_285 : i32 to index
      %get3A_287 = tpu.vector_load %arg8[%get3A_286] {strides = array<i32>} : memref<13312xf32, #tpu.memory_space<vmem>>, vector<16xf32>,
      %get3A_288 = vector.shape_cast %get3A_287 : vector<16xf32> to vector<16xf32>
      %add3A_289 = arith.addf %add3A_283, %get3A_288 : vector<16xf32>
      %add3A_290 = arith.constant 9216 : i32
      %add3A_291 = arith.addi %add3A_290, %mul3A_181 : i32
      %get3A_292 = arith.index_cast %add3A_291 : i32 to index
      %get3A_293 = tpu.vector_load %arg8[%get3A_292] {strides = array<i32>} : memref<13312xf32, #tpu.memory_space<vmem>>, vector<16xf32>,
      %get3A_294 = vector.shape_cast %get3A_293 : vector<16xf32> to vector<16xf32>
      %add3A_295 = arith.addf %add3A_289, %get3A_294 : vector<16xf32>
      %add3A_296 = arith.constant 9728 : i32
      %add3A_297 = arith.addi %add3A_296, %mul3A_181 : i32
      %get3A_298 = arith.index_cast %add3A_297 : i32 to index
      %get3A_299 = tpu.vector_load %arg8[%get3A_298] {strides = array<i32>} : memref<13312xf32, #tpu.memory_space<vmem>>, vector<16xf32>,
      %get3A_300 = vector.shape_cast %get3A_299 : vector<16xf32> to vector<16xf32>
      %add3A_301 = arith.addf %add3A_295, %get3A_300 : vector<16xf32>
      %add3A_302 = arith.constant 10240 : i32
      %add3A_303 = arith.addi %add3A_302, %mul3A_181 : i32
      %get3A_304 = arith.index_cast %add3A_303 : i32 to index
      %get3A_305 = tpu.vector_load %arg8[%get3A_304] {strides = array<i32>} : memref<13312xf32, #tpu.memory_space<vmem>>, vector<16xf32>,
      %get3A_306 = vector.shape_cast %get3A_305 : vector<16xf32> to vector<16xf32>
      %add3A_307 = arith.addf %add3A_301, %get3A_306 : vector<16xf32>
      %add3A_308 = arith.constant 10752 : i32
      %add3A_309 = arith.addi %add3A_308, %mul3A_181 : i32
      %get3A_310 = arith.index_cast %add3A_309 : i32 to index
      %get3A_311 = tpu.vector_load %arg8[%get3A_310] {strides = array<i32>} : memref<13312xf32, #tpu.memory_space<vmem>>, vector<16xf32>,
      %get3A_312 = vector.shape_cast %get3A_311 : vector<16xf32> to vector<16xf32>
      %add3A_313 = arith.addf %add3A_307, %get3A_312 : vector<16xf32>
      %add3A_314 = arith.constant 11264 : i32
      %add3A_315 = arith.addi %add3A_314, %mul3A_181 : i32
      %get3A_316 = arith.index_cast %add3A_315 : i32 to index
      %get3A_317 = tpu.vector_load %arg8[%get3A_316] {strides = array<i32>} : memref<13312xf32, #tpu.memory_space<vmem>>, vector<16xf32>,
      %get3A_318 = vector.shape_cast %get3A_317 : vector<16xf32> to vector<16xf32>
      %add3A_319 = arith.addf %add3A_313, %get3A_318 : vector<16xf32>
      %add3A_320 = arith.constant 11776 : i32
      %add3A_321 = arith.addi %add3A_320, %mul3A_181 : i32
      %get3A_322 = arith.index_cast %add3A_321 : i32 to index
      %get3A_323 = tpu.vector_load %arg8[%get3A_322] {strides = array<i32>} : memref<13312xf32, #tpu.memory_space<vmem>>, vector<16xf32>,
      %get3A_324 = vector.shape_cast %get3A_323 : vector<16xf32> to vector<16xf32>
      %add3A_325 = arith.addf %add3A_319, %get3A_324 : vector<16xf32>
      %add3A_326 = arith.constant 12288 : i32
      %add3A_327 = arith.addi %add3A_326, %mul3A_181 : i32
      %get3A_328 = arith.index_cast %add3A_327 : i32 to index
      %get3A_329 = tpu.vector_load %arg8[%get3A_328] {strides = array<i32>} : memref<13312xf32, #tpu.memory_space<vmem>>, vector<16xf32>,
      %get3A_330 = vector.shape_cast %get3A_329 : vector<16xf32> to vector<16xf32>
      %add3A_331 = arith.addf %add3A_325, %get3A_330 : vector<16xf32>
      %add3A_332 = arith.constant 12800 : i32
      %add3A_333 = arith.addi %add3A_332, %mul3A_181 : i32
      %get3A_334 = arith.index_cast %add3A_333 : i32 to index
      %get3A_335 = tpu.vector_load %arg8[%get3A_334] {strides = array<i32>} : memref<13312xf32, #tpu.memory_space<vmem>>, vector<16xf32>,
      %get3A_336 = vector.shape_cast %get3A_335 : vector<16xf32> to vector<16xf32>
      %add3A_337 = arith.addf %add3A_331, %get3A_336 : vector<16xf32>
      %get3A_338 = arith.constant 0 : index
      %get3A_339 = tpu.vector_load %arg11[%get3A_338] {strides = array<i32>} : memref<224xf32, #tpu.memory_space<vmem>>, vector<16xf32>,
      %get3A_340 = vector.shape_cast %get3A_339 : vector<16xf32> to vector<16xf32>
      %add3A_341 = arith.constant 0 : i32
      %add3A_342 = arith.addi %add3A_341, %mul3A_181 : i32
      %get3A_343 = arith.index_cast %add3A_342 : i32 to index
      %get3A_344 = tpu.vector_load %arg9[%get3A_343] {strides = array<i32>} : memref<6656xf32, #tpu.memory_space<vmem>>, vector<16xf32>,
      %get3A_345 = vector.shape_cast %get3A_344 : vector<16xf32> to vector<16xf32>
      %mul3A_346 = arith.mulf %get3A_340, %get3A_345 : vector<16xf32>
      %add3A_347 = arith.addf %add3A_337, %mul3A_346 : vector<16xf32>
      %get3A_348 = arith.constant 16 : index
      %get3A_349 = tpu.vector_load %arg11[%get3A_348] {strides = array<i32>} : memref<224xf32, #tpu.memory_space<vmem>>, vector<16xf32>,
      %get3A_350 = vector.shape_cast %get3A_349 : vector<16xf32> to vector<16xf32>
      %add3A_351 = arith.constant 512 : i32
      %add3A_352 = arith.addi %add3A_351, %mul3A_181 : i32
      %get3A_353 = arith.index_cast %add3A_352 : i32 to index
      %get3A_354 = tpu.vector_load %arg9[%get3A_353] {strides = array<i32>} : memref<6656xf32, #tpu.memory_space<vmem>>, vector<16xf32>,
      %get3A_355 = vector.shape_cast %get3A_354 : vector<16xf32> to vector<16xf32>
      %mul3A_356 = arith.mulf %get3A_350, %get3A_355 : vector<16xf32>
      %add3A_357 = arith.addf %add3A_347, %mul3A_356 : vector<16xf32>
      %get3A_358 = arith.constant 32 : index
      %get3A_359 = tpu.vector_load %arg11[%get3A_358] {strides = array<i32>} : memref<224xf32, #tpu.memory_space<vmem>>, vector<16xf32>,
      %get3A_360 = vector.shape_cast %get3A_359 : vector<16xf32> to vector<16xf32>
      %add3A_361 = arith.constant 1024 : i32
      %add3A_362 = arith.addi %add3A_361, %mul3A_181 : i32
      %get3A_363 = arith.index_cast %add3A_362 : i32 to index
      %get3A_364 = tpu.vector_load %arg9[%get3A_363] {strides = array<i32>} : memref<6656xf32, #tpu.memory_space<vmem>>, vector<16xf32>,
      %get3A_365 = vector.shape_cast %get3A_364 : vector<16xf32> to vector<16xf32>
      %mul3A_366 = arith.mulf %get3A_360, %get3A_365 : vector<16xf32>
      %add3A_367 = arith.addf %add3A_357, %mul3A_366 : vector<16xf32>
      %get3A_368 = arith.constant 48 : index
      %get3A_369 = tpu.vector_load %arg11[%get3A_368] {strides = array<i32>} : memref<224xf32, #tpu.memory_space<vmem>>, vector<16xf32>,
      %get3A_370 = vector.shape_cast %get3A_369 : vector<16xf32> to vector<16xf32>
      %add3A_371 = arith.constant 1536 : i32
      %add3A_372 = arith.addi %add3A_371, %mul3A_181 : i32
      %get3A_373 = arith.index_cast %add3A_372 : i32 to index
      %get3A_374 = tpu.vector_load %arg9[%get3A_373] {strides = array<i32>} : memref<6656xf32, #tpu.memory_space<vmem>>, vector<16xf32>,
      %get3A_375 = vector.shape_cast %get3A_374 : vector<16xf32> to vector<16xf32>
      %mul3A_376 = arith.mulf %get3A_370, %get3A_375 : vector<16xf32>
      %add3A_377 = arith.addf %add3A_367, %mul3A_376 : vector<16xf32>
      %get3A_378 = arith.constant 64 : index
      %get3A_379 = tpu.vector_load %arg11[%get3A_378] {strides = array<i32>} : memref<224xf32, #tpu.memory_space<vmem>>, vector<16xf32>,
      %get3A_380 = vector.shape_cast %get3A_379 : vector<16xf32> to vector<16xf32>
      %add3A_381 = arith.constant 2048 : i32
      %add3A_382 = arith.addi %add3A_381, %mul3A_181 : i32
      %get3A_383 = arith.index_cast %add3A_382 : i32 to index
      %get3A_384 = tpu.vector_load %arg9[%get3A_383] {strides = array<i32>} : memref<6656xf32, #tpu.memory_space<vmem>>, vector<16xf32>,
      %get3A_385 = vector.shape_cast %get3A_384 : vector<16xf32> to vector<16xf32>
      %mul3A_386 = arith.mulf %get3A_380, %get3A_385 : vector<16xf32>
      %add3A_387 = arith.addf %add3A_377, %mul3A_386 : vector<16xf32>
      %get3A_388 = arith.constant 80 : index
      %get3A_389 = tpu.vector_load %arg11[%get3A_388] {strides = array<i32>} : memref<224xf32, #tpu.memory_space<vmem>>, vector<16xf32>,
      %get3A_390 = vector.shape_cast %get3A_389 : vector<16xf32> to vector<16xf32>
      %add3A_391 = arith.constant 2560 : i32
      %add3A_392 = arith.addi %add3A_391, %mul3A_181 : i32
      %get3A_393 = arith.index_cast %add3A_392 : i32 to index
      %get3A_394 = tpu.vector_load %arg9[%get3A_393] {strides = array<i32>} : memref<6656xf32, #tpu.memory_space<vmem>>, vector<16xf32>,
      %get3A_395 = vector.shape_cast %get3A_394 : vector<16xf32> to vector<16xf32>
      %mul3A_396 = arith.mulf %get3A_390, %get3A_395 : vector<16xf32>
      %add3A_397 = arith.addf %add3A_387, %mul3A_396 : vector<16xf32>
      %get3A_398 = arith.constant 96 : index
      %get3A_399 = tpu.vector_load %arg11[%get3A_398] {strides = array<i32>} : memref<224xf32, #tpu.memory_space<vmem>>, vector<16xf32>,
      %get3A_400 = vector.shape_cast %get3A_399 : vector<16xf32> to vector<16xf32>
      %add3A_401 = arith.constant 3072 : i32
      %add3A_402 = arith.addi %add3A_401, %mul3A_181 : i32
      %get3A_403 = arith.index_cast %add3A_402 : i32 to index
      %get3A_404 = tpu.vector_load %arg9[%get3A_403] {strides = array<i32>} : memref<6656xf32, #tpu.memory_space<vmem>>, vector<16xf32>,
      %get3A_405 = vector.shape_cast %get3A_404 : vector<16xf32> to vector<16xf32>
      %mul3A_406 = arith.mulf %get3A_400, %get3A_405 : vector<16xf32>
      %add3A_407 = arith.addf %add3A_397, %mul3A_406 : vector<16xf32>
      %get3A_408 = arith.constant 112 : index
      %get3A_409 = tpu.vector_load %arg11[%get3A_408] {strides = array<i32>} : memref<224xf32, #tpu.memory_space<vmem>>, vector<16xf32>,
      %get3A_410 = vector.shape_cast %get3A_409 : vector<16xf32> to vector<16xf32>
      %add3A_411 = arith.constant 3584 : i32
      %add3A_412 = arith.addi %add3A_411, %mul3A_181 : i32
      %get3A_413 = arith.index_cast %add3A_412 : i32 to index
      %get3A_414 = tpu.vector_load %arg9[%get3A_413] {strides = array<i32>} : memref<6656xf32, #tpu.memory_space<vmem>>, vector<16xf32>,
      %get3A_415 = vector.shape_cast %get3A_414 : vector<16xf32> to vector<16xf32>
      %mul3A_416 = arith.mulf %get3A_410, %get3A_415 : vector<16xf32>
      %add3A_417 = arith.addf %add3A_407, %mul3A_416 : vector<16xf32>
      %get3A_418 = arith.constant 128 : index
      %get3A_419 = tpu.vector_load %arg11[%get3A_418] {strides = array<i32>} : memref<224xf32, #tpu.memory_space<vmem>>, vector<16xf32>,
      %get3A_420 = vector.shape_cast %get3A_419 : vector<16xf32> to vector<16xf32>
      %add3A_421 = arith.constant 4096 : i32
      %add3A_422 = arith.addi %add3A_421, %mul3A_181 : i32
      %get3A_423 = arith.index_cast %add3A_422 : i32 to index
      %get3A_424 = tpu.vector_load %arg9[%get3A_423] {strides = array<i32>} : memref<6656xf32, #tpu.memory_space<vmem>>, vector<16xf32>,
      %get3A_425 = vector.shape_cast %get3A_424 : vector<16xf32> to vector<16xf32>
      %mul3A_426 = arith.mulf %get3A_420, %get3A_425 : vector<16xf32>
      %add3A_427 = arith.addf %add3A_417, %mul3A_426 : vector<16xf32>
      %get3A_428 = arith.constant 144 : index
      %get3A_429 = tpu.vector_load %arg11[%get3A_428] {strides = array<i32>} : memref<224xf32, #tpu.memory_space<vmem>>, vector<16xf32>,
      %get3A_430 = vector.shape_cast %get3A_429 : vector<16xf32> to vector<16xf32>
      %add3A_431 = arith.constant 4608 : i32
      %add3A_432 = arith.addi %add3A_431, %mul3A_181 : i32
      %get3A_433 = arith.index_cast %add3A_432 : i32 to index
      %get3A_434 = tpu.vector_load %arg9[%get3A_433] {strides = array<i32>} : memref<6656xf32, #tpu.memory_space<vmem>>, vector<16xf32>,
      %get3A_435 = vector.shape_cast %get3A_434 : vector<16xf32> to vector<16xf32>
      %mul3A_436 = arith.mulf %get3A_430, %get3A_435 : vector<16xf32>
      %add3A_437 = arith.addf %add3A_427, %mul3A_436 : vector<16xf32>
      %get3A_438 = arith.constant 160 : index
      %get3A_439 = tpu.vector_load %arg11[%get3A_438] {strides = array<i32>} : memref<224xf32, #tpu.memory_space<vmem>>, vector<16xf32>,
      %get3A_440 = vector.shape_cast %get3A_439 : vector<16xf32> to vector<16xf32>
      %add3A_441 = arith.constant 5120 : i32
      %add3A_442 = arith.addi %add3A_441, %mul3A_181 : i32
      %get3A_443 = arith.index_cast %add3A_442 : i32 to index
      %get3A_444 = tpu.vector_load %arg9[%get3A_443] {strides = array<i32>} : memref<6656xf32, #tpu.memory_space<vmem>>, vector<16xf32>,
      %get3A_445 = vector.shape_cast %get3A_444 : vector<16xf32> to vector<16xf32>
      %mul3A_446 = arith.mulf %get3A_440, %get3A_445 : vector<16xf32>
      %add3A_447 = arith.addf %add3A_437, %mul3A_446 : vector<16xf32>
      %get3A_448 = arith.constant 176 : index
      %get3A_449 = tpu.vector_load %arg11[%get3A_448] {strides = array<i32>} : memref<224xf32, #tpu.memory_space<vmem>>, vector<16xf32>,
      %get3A_450 = vector.shape_cast %get3A_449 : vector<16xf32> to vector<16xf32>
      %add3A_451 = arith.constant 5632 : i32
      %add3A_452 = arith.addi %add3A_451, %mul3A_181 : i32
      %get3A_453 = arith.index_cast %add3A_452 : i32 to index
      %get3A_454 = tpu.vector_load %arg9[%get3A_453] {strides = array<i32>} : memref<6656xf32, #tpu.memory_space<vmem>>, vector<16xf32>,
      %get3A_455 = vector.shape_cast %get3A_454 : vector<16xf32> to vector<16xf32>
      %mul3A_456 = arith.mulf %get3A_450, %get3A_455 : vector<16xf32>
      %add3A_457 = arith.addf %add3A_447, %mul3A_456 : vector<16xf32>
      %get3A_458 = arith.constant 192 : index
      %get3A_459 = tpu.vector_load %arg11[%get3A_458] {strides = array<i32>} : memref<224xf32, #tpu.memory_space<vmem>>, vector<16xf32>,
      %get3A_460 = vector.shape_cast %get3A_459 : vector<16xf32> to vector<16xf32>
      %add3A_461 = arith.constant 6144 : i32
      %add3A_462 = arith.addi %add3A_461, %mul3A_181 : i32
      %get3A_463 = arith.index_cast %add3A_462 : i32 to index
      %get3A_464 = tpu.vector_load %arg9[%get3A_463] {strides = array<i32>} : memref<6656xf32, #tpu.memory_space<vmem>>, vector<16xf32>,
      %get3A_465 = vector.shape_cast %get3A_464 : vector<16xf32> to vector<16xf32>
      %mul3A_466 = arith.mulf %get3A_460, %get3A_465 : vector<16xf32>
      %add3A_467 = arith.addf %add3A_457, %mul3A_466 : vector<16xf32>
      %swap3A = arith.index_cast %mul3A_181 : i32 to index
      %swap3A_468 = tpu.vector_load %arg10[%swap3A] {strides = array<i32>} : memref<512xf32, #tpu.memory_space<vmem>>, vector<16xf32>,
      %swap3A_469 = vector.shape_cast %swap3A_468 : vector<16xf32> to vector<16xf32>
      %swap3A_470 = vector.shape_cast %add3A_467 : vector<16xf32> to vector<16xf32>
      tpu.vector_store %arg10[%swap3A], %swap3A_470 {strides = array<i32>} : memref<512xf32, #tpu.memory_space<vmem>>, vector<16xf32>,
    }
    %scan3A_176 = arith.constant 32 : i32
    %mul3A_177 = arith.constant 512 : i32
    %mul3A_178 = arith.muli %add3A, %mul3A_177 : i32
    "tpu.region"() ({
      %run_scoped3A = tpu.sem_alloc : memref<!tpu.dma_semaphore, #tpu.memory_space<semaphore_mem>>
      %dma_start3A_179 = tpu.memref_slice %arg6[%mul3A_178] : memref<16384xf32, #tpu.memory_space<hbm>> -> memref<512xf32, #tpu.memory_space<hbm>>
      %dma_start3A_180 = tpu.memref_slice %arg6[%mul3A_178] : memref<16384xf32, #tpu.memory_space<hbm>> -> memref<512xf32, #tpu.memory_space<hbm>>
      tpu.enqueue_dma source(%arg10 : memref<512xf32, #tpu.memory_space<vmem>>) target(%dma_start3A_180 : memref<512xf32, #tpu.memory_space<hbm>>) target_semaphore(%run_scoped3A : memref<!tpu.dma_semaphore, #tpu.memory_space<semaphore_mem>>)
      %dma_wait3A_181 = tpu.memref_slice %arg6[%mul3A_178] : memref<16384xf32, #tpu.memory_space<hbm>> -> memref<512xf32, #tpu.memory_space<hbm>>
      %dma_wait3A_182 = tpu.memref_slice %arg6[%mul3A_178] : memref<16384xf32, #tpu.memory_space<hbm>> -> memref<512xf32, #tpu.memory_space<hbm>>
      tpu.wait_dma2 semaphore(%run_scoped3A : memref<!tpu.dma_semaphore, #tpu.memory_space<semaphore_mem>>) src(%arg10 : memref<512xf32, #tpu.memory_space<vmem>>) dst(%dma_wait3A_182 : memref<512xf32, #tpu.memory_space<hbm>>)
      tpu.yield
    }) : () -> ()
    return
  }
}

</mosaic_0001>

<sc_bundles>
// kernel: kernel.3.cloned.1.call-start
scs
__scs_entry_jumppad:
0x0: {  	(pc) =	sbr.rel $0x88, $3  }
0x1: {  	(tag) =	ssettag $0x0;
	lr =	simm.s32 $0x1  }
0x2: {  	[smem:$0x3F9C] =	sst lr;
	_ =	strace $0xD0000000  }
0x3: {  	_ = 	snop  }
0x4: {  	_ = 	snop  }
0x5: {  	_ = 	snop  }
0x6: {  	_ = 	snop  }
0x7: {  	_ = 	snop  }
__scs_overlays_trampoline_lowered:
0x8: {  	[smem:$0x3FAB] =	sst s0  }
0x9: {  	[smem:$0x3FAC] =	sst s1  }
0xa: {  	[smem:$0x3FAD] =	sst s2  }
0xb: {  	[smem:$0x3FAE] =	sst s3  }
0xc: {  	[smem:$0x3FAF] =	sst s4  }
0xd: {  	[smem:$0x3FB0] =	sst s5  }
0xe: {  	[smem:$0x3FB1] =	sst s6  }
0xf: {  	[smem:$0x3FB2] =	sst s7  }
0x10: {  	[smem:$0x3FB3] =	sst s8  }
0x11: {  	[smem:$0x3FB4] =	sst s9;
	s0 =	simm.s32 @!p0 $0x0  }
0x12: {  	s1 =	sld [smem:$0x3F9A];
	s0 =	simm.s32 @p0 $0x1  }
0x13: {  	[smem:$0x3FB5] =	sst s0;
	s0 =	simm.s32 @!p1 $0x0  }
0x14: {  	s2 =	sld [smem:$0x3F99];
	s0 =	simm.s32 @p1 $0x1  }
0x15: {  	[smem:$0x3FB6] =	sst s0;
	s0 =	simm.s32 @!p2 $0x0  }
0x16: {  	s3 =	sld [smem:$0x3FDB];
	s0 =	simm.s32 @p2 $0x1  }
0x17: {  	s4 =	simm.s32 $0x1BF5;
	[smem:$0x3FB8] =	sst s0  }
0x18: {  	s0 =	sld [smem:$0x3F9B];
	_ =	swait.ge [sflag:s4], $0x0  }
0x19: {  	s7 =	sld [smem:$0x3F9C]  }
0x1a: {  	s8 =	sadd.s32 $0xFFFFE003, lr  }
0x1b: {  	s9 =	sadd.s32 $0xFFFFFEF7, lr;
	s5 =	simm.s32 $0xFFFFFFFF;
	p2 =	slt.u32 s8, $0xFFFFF086  }
0x1c: {  	p1 =	slt.u32 s9, $0xF7A;
	s5 =	simm.s32 @!p2 $0x0  }
0x1d: {  	s5 =	simm.s32 @p1 $0x1;
	p0 =	seq.s32 s7, s2  }
0x1e: {  	s7 =	smul.u32 @!p0 $0xF7A, s2;
	p2 =	seq.s32 @!p0 s5, $0x0  }
0x1f: {  	s9 =	smul.u32 $0xF7A, s1;
	s8 =	simm.s32 @!p0 $0x1BF5;
	p2 =	por !p2, p0  }
0x20: {  	[sflag:s8] =	ssyncset.s32 @!p0 $0xFFFFF086;
	s6 =	sadd.s32 @!p0 s3, s7;
	s7 =	simm.s32 @!p0 $0x108  }
0x21: {  	s3 =	sadd.s32 s3, s9;
	s6 =	sadd.s32 @!p0 $0x88, s6;
	s7 =	simm.s32 @p2 $0x1082  }
0x22: {  	[simem:s7], [sflag:s8] =	dma.local @!p0 [hbm:s6], $0xF7A  }
0x23: {  	s9 =	sor.u32 $0xD0000000, s2;
	s6 =	simm.s32 $0x108;
	_ =	swait.ge @!p0 [sflag:s8], $0x0  }
0x24: {  	s3 =	sadd.s32 $0x88, s3;
	s6 =	simm.s32 @!p1 $0x1082;
	[sflag:s4] =	ssyncset.s32 $0xFFFFF086  }
0x25: {  	[simem:s6], [sflag:s4] =	dma.local [hbm:s3], $0xF7A  }
0x26: {  	[smem:$0x3F9C] =	sst s1;
	(tag) =	ssettag s2;
	_ =	strace s9  }
0x27: {  	s1 =	sld [smem:$0x3FAC]  }
0x28: {  	s2 =	sld [smem:$0x3FAD]  }
0x29: {  	s4 =	sld [smem:$0x3FAF]  }
0x2a: {  	p0 =	seq.s32 s5, $0x0;
	s5 =	sld [smem:$0x3FB0]  }
0x2b: {  	s6 =	sld [smem:$0x3FB1]  }
0x2c: {  	s7 =	sld [smem:$0x3FB2]  }
0x2d: {  	s3 =	simm.s32 $0x108;
	s8 =	sld [smem:$0x3FB3]  }
0x2e: {  	s3 =	simm.s32 @!p0 $0x1082;
	s9 =	sld [smem:$0x3FB4]  }
0x2f: {  	lr =	sadd.s32 s0, s3;
	s0 =	sld [smem:$0x3FAB]  }
0x30: {  	s3 =	sld [smem:$0x3FAE]  }
0x31: {  	[smem:$0x3FB7] =	sst s10  }
0x32: {  	s10 =	sld [smem:$0x3FB5];
	_ =	sdelay $0x3  }
0x33: {  	p0 =	seq.s32 s10, $0x1;
	s10 =	sld [smem:$0x3FB7];
	_ =	sdelay $0x3  }
0x34: {  	[smem:$0x3FB7] =	sst s10  }
0x35: {  	s10 =	sld [smem:$0x3FB6];
	_ =	sdelay $0x3  }
0x36: {  	p1 =	seq.s32 s10, $0x1;
	s10 =	sld [smem:$0x3FB7];
	_ =	sdelay $0x3  }
0x37: {  	[smem:$0x3FB7] =	sst s10  }
0x38: {  	s10 =	sld [smem:$0x3FB8]  }
0x39: {  	_ = 	snop;
	(pc) =	sbr.ind lr, $3  }
0x3a: {  	_ = 	snop  }
0x3b: {  	_ = 	snop  }
0x3c: {  	p2 =	seq.s32 s10, $0x1;
	s10 =	sld [smem:$0x3FB7]  }
0x3d: {  	_ =	shalt  }
0x3e: {  	_ =	shalt  }
0x3f: {  	_ =	shalt  }
0x40: {  	_ =	shalt  }
0x41: {  	_ =	shalt  }
0x42: {  	_ =	shalt  }
0x43: {  	_ =	shalt  }
0x44: {  	_ =	shalt  }
0x45: {  	_ =	shalt  }
0x46: {  	_ =	shalt  }
0x47: {  	_ =	shalt  }
0x48: {  	_ =	shalt  }
0x49: {  	_ =	shalt  }
0x4a: {  	_ =	shalt  }
0x4b: {  	_ =	shalt  }
0x4c: {  	_ =	shalt  }
0x4d: {  	_ =	shalt  }
0x4e: {  	_ =	shalt  }
0x4f: {  	_ =	shalt  }
0x50: {  	_ =	shalt  }
0x51: {  	_ =	shalt  }
0x52: {  	_ =	shalt  }
0x53: {  	_ =	shalt  }
0x54: {  	_ =	shalt  }
0x55: {  	_ =	shalt  }
0x56: {  	_ =	shalt  }
0x57: {  	_ =	shalt  }
0x58: {  	_ =	shalt  }
0x59: {  	_ =	shalt  }
0x5a: {  	_ =	shalt  }
0x5b: {  	_ =	shalt  }
0x5c: {  	_ =	shalt  }
0x5d: {  	_ =	shalt  }
0x5e: {  	_ =	shalt  }
0x5f: {  	_ =	shalt  }
0x60: {  	_ =	shalt  }
0x61: {  	_ =	shalt  }
0x62: {  	_ =	shalt  }
0x63: {  	_ =	shalt  }
0x64: {  	_ =	shalt  }
0x65: {  	_ =	shalt  }
0x66: {  	_ =	shalt  }
0x67: {  	_ =	shalt  }
0x68: {  	_ =	shalt  }
0x69: {  	_ =	shalt  }
0x6a: {  	_ =	shalt  }
0x6b: {  	_ =	shalt  }
0x6c: {  	_ =	shalt  }
0x6d: {  	_ =	shalt  }
0x6e: {  	_ =	shalt  }
0x6f: {  	_ =	shalt  }
0x70: {  	_ =	shalt  }
0x71: {  	_ =	shalt  }
0x72: {  	_ =	shalt  }
0x73: {  	_ =	shalt  }
0x74: {  	_ =	shalt  }
0x75: {  	_ =	shalt  }
0x76: {  	_ =	shalt  }
0x77: {  	_ =	shalt  }
0x78: {  	_ =	shalt  }
0x79: {  	_ =	shalt  }
0x7a: {  	_ =	shalt  }
0x7b: {  	_ =	shalt  }
0x7c: {  	_ =	shalt  }
0x7d: {  	_ =	shalt  }
0x7e: {  	_ =	shalt  }
0x7f: {  	_ =	shalt  }
0x80: {  	_ =	shalt  }
0x81: {  	_ =	shalt  }
0x82: {  	_ =	shalt  }
0x83: {  	_ =	shalt  }
0x84: {  	_ =	shalt  }
0x85: {  	_ =	shalt  }
0x86: {  	_ =	shalt  }
0x87: {  	_ =	shalt  }
.Lfunc_end0:
.L_simem_size_0:
called_computation_lowered:
.L_overlay_start_0:
0x88: {  	s2 =	sld [smem:$0x3FD9]  }
0x89: {  	s3 =	sld [smem:$0x3FFE];
	_ =	sdelay $0x1  }
0x8a: {  	s1 =	srdreg.scid  }
0x8b: {  	s0 =	sand.u32 $0x1, s1  }
0x8c: {  	s17 =	sshll.u32 s0, $0xA;
	s2 =	sadd.s32 s3, s2  }
0x8d: {  	s2 =	sadd.s32 s2, s17  }
0x8e: {  	[smem:$0x3FC3] =	sst s2  }
0x8f: {  	_ = 	snop  }
0x90: {  	s2 =	sld [smem:$0x3FD0];
	(tm) =	ssettm $0x1  }
0x91: {  	s18 =	sld [smem:$0x3FFB];
	_ =	sdelay $0x3  }
0x92: {  	_ =	strace s18  }
0x93: {  	s3 =	sld [smem:$0x3FFC];
	_ =	sdelay $0x3  }
0x94: {  	_ =	strace s3  }
0x95: {  	s3 =	sld [smem:$0x3FFD];
	_ =	sdelay $0x3  }
0x96: {  	_ =	strace s3  }
0x97: {  	_ =	strace $0x8FFFFFFF  }
0x98: {  	s19 =	sld [smem:$0x3FDB];
	_ =	sdelay $0x1  }
0x99: {  	s4 =	simm.s32 $_scs_section_size  }
0x9a: {  	s5 =	simm.s32 $_size__tile_overlayer_lowered;
	s6 =	simm.s32 $_tile_overlayer_lowered  }
0x9b: {  	s22 =	simm.s32 $0x1BFF;
	s21 =	sshll.u32 s6, $0x1;
	s3 =	sadd.s32 s4, s19  }
0x9c: {  	s7 =	simm.s32 $0x0;
	s20 =	sshll.u32 s5, $0x1;
	s5 =	sadd.s32 s21, s3  }
0x9d: {  	[timem:s7], [sflag:s22] =	dma.local [hbm:s5], s20  }
0x9e: {  	_ =	swait.ge [sflag:s22], s20  }
0x9f: {  	s4 =	ssub.s32 $0x0, s20;
	[sflag:s22] =	ssyncset.done $0x0  }
0xa0: {  	[sflag:s22] =	ssyncadd.s32 s4;
	_ =	sdelay $0x1  }
0xa1: {  	s23 =	simm.s32 $0x1B8B  }
0xa2: {  	_ =	swait.ge [sflag:s23], $0x1  }
0xa3: {  	[sflag:s23] =	ssyncset.done $0x0  }
0xa4: {  	s25 =	simm.s32 $0x1B8E;
	s24 =	sld [smem:$0x3FFE];
	[sflag:s23] =	ssyncadd.s32 $0xFFFFFFFF  }
0xa5: {  	s26 =	simm.s32 $execute0_lowered;
	[smem:$0x3FD2] =	sst s25  }
0xa6: {  	s5 =	sshll.u32 s26, $0x1;
	_ =	strace $0x80000046;
	[dreg:$0x1] =	wrdreg $0xFFFFFFFF  }
0xa7: {  	s28 =	simm.s32 $_size_execute0_lowered;
	s3 =	sadd.s32 s3, s5;
	[dreg:$0x0] =	wrdreg $0x0  }
0xa8: {  	s5 =	sshll.u32 s28, $0x1;
	[dreg:$0x2] =	wrdreg s3  }
0xa9: {  	[dreg:$0x3] =	wrdreg s5  }
0xaa: {  	[dreg:$0x4] =	wrdreg $0xC0  }
0xab: {  	_ =	task [dreg:s7], $0x5FFFF  }
0xac: {  	[dreg:$0x1] =	wrdreg $0xFFFFFFFF  }
0xad: {  	[dreg:$0x0] =	wrdreg $0x60  }
0xae: {  	[dreg:$0x2] =	wrdreg s24  }
0xaf: {  	[dreg:$0x3] =	wrdreg s2  }
0xb0: {  	[dreg:$0x4] =	wrdreg $0x85000  }
0xb1: {  	[dreg:$0x5] =	wrdreg $0x9  }
0xb2: {  	_ =	task.clear_ibuf [dreg:s7], $0x6FFFF;
	_ =	strace $0x90000046  }
0xb3: {  	s29 =	simm.s32 $0x9;
	_ =	strace $0x80000048  }
0xb4: {  	_ =	swait.ge [sflag:s29], $0x1  }
0xb5: {  	[sflag:s29] =	ssyncadd.s32 $0xFFFFFFFF  }
0xb6: {  	_ =	strace $0x90000048  }
0xb7: {  	_ =	sfence  }
0xb8: {  	s30 =	sld [smem:$0x0];
	_ =	sdelay $0x2  }
0xb9: {  	s31 =	sshll.u32 s1, $0xD;
	s1 =	sshrl.u32 s1, $0x2  }
0xba: {  	s3 =	sand.u32 $0x4000, s31;
	s1 =	sadd.s32 s1, s30  }
0xbb: {  	s0 =	sor.u32 s3, s0;
	s1 =	sshll.u32 s1, $0x11  }
0xbc: {  	s0 =	sor.u32 s1, s0  }
0xbd: {  	s0 =	sadd.s32 $0x8F2B, s0  }
0xbe: {  	[sflag:s0] =	ssyncadd.remote.s32 $0x1  }
0xbf: {  	_ =	sfence.sel $0xFFFF  }
0xc0: {  	[dreg:$0x0] =	wrdreg $0xFFFFFFFF;
	(pc) =	sbr.abs _section_cstart, $3  }
0xc1: {  	[dreg:$0x1] =	wrdreg $0xFFFFFFFF  }
0xc2: {  	_ =	task.clear_ibuf [dreg:s7], $0x2FFFF;
	_ =	strace $0x9FFFFFFF  }
0xc3: {  	(tm) =	ssettm $0x7FFFFFFF  }
tec
execute0_lowered:
.L_overlay_start_1:
0x0: {  	(tag) =	ssettag $0x1  }
0x1: {  	s0 =	srdreg.scid;
	s3 =	rddreg [dreg:$0x0]  }
0x2: {  	s7 =	stileid.u32;
	s5 =	rddreg [dreg:$0x1]  }
0x3: {  	s23 =	rddreg [dreg:$0x2];
	s11 =	simm.s32 $0x0;
	s28 =	simm.s32 $0x400  }
0x4: {  	s31 =	simm.s32 $0x197B0;
	s29 =	simm.s32 $0x3;
	s30 =	simm.s32 $0x1  }
0x5: {  	s0 =	sand.u32 $0x1, s0;
	s1 =	sshll.u32 s7, $0x1;
	s2 =	sshrl.u32 s7, $0x2  }
0x6: {  	s7 =	smul.u32 $0xF424, s7;
	s8 =	sadd.s32 $0x13E00, s3;
	[smem:$0x7FF] =	sst s11  }
0x7: {  	s12 =	sadd.s32 $0x13C00, s3;
	s1 =	sor.u32 s0, s1;
	s4 =	smul.u32 $0x1A000, s2  }
0x8: {  	s2 =	smul.u32 $0xD000, s2;
	s0 =	ssub.s32 $0x2, s0;
	s6 =	sshll.u32 s1, $0x7  }
0x9: {  	s9 =	sshrl.u32 s0, $0x1;
	s1 =	sshll.u32 s1, $0x6;
	s6 =	sand.u32 $0x380, s6  }
0xa: {  	s4 =	sor.u32 s4, s6;
	s2 =	sor.u32 s2, s6;
	s6 =	sand.u32 $0xFFFF8, s7  }
0xb: {  	s0 =	ssub.s32 s0, s9;
	s7 =	sshrl.u32 s7, $0x3;
	s16 =	sadd.s32 $0x1E88, s6  }
0xc: {  	s7 =	sadd.s32 s8, s7;
	s17 =	sadd.s32 $0x3D10, s6;
	s18 =	sadd.s32 $0x5B98, s6  }
0xd: {  	s19 =	sadd.s32 $0x7A20, s6;
	s4 =	sshrl.u32 s4, $0x3;
	s2 =	sshrl.u32 s2, $0x3  }
0xe: {  	s14 =	sshrl.u32 s16, $0x3;
	[dreg:$0x4] =	wrdreg s7;
	s20 =	sshrl.u32 s17, $0x3  }
0xf: {  	s21 =	sshrl.u32 s18, $0x3;
	s10 =	sshrl.u32 s19, $0x3;
	s4 =	sadd.s32 s4, s3  }
0x10: {  	s2 =	sadd.s32 s2, s3;
	s16 =	sadd.s32 s16, s23;
	s17 =	sadd.s32 s17, s23  }
0x11: {  	s18 =	sadd.s32 s18, s23;
	s19 =	sadd.s32 s19, s23;
	s3 =	simm.s32 $0x0  }
0x12: {  	s15 =	sadd.s32 s8, s14;
	s9 =	sadd.s32 s8, s20;
	s22 =	sadd.s32 s8, s10  }
0x13: {  	s20 =	sadd.s32 $0x98A8, s6;
	s13 =	sadd.s32 $0x6C00, s4;
	[dreg:$0x5] =	wrdreg s15  }
0x14: {  	s14 =	sadd.s32 $0x400, s2;
	s2 =	simm.s32 $0x8200;
	[dreg:$0x6] =	wrdreg s9  }
0x15: {  	s9 =	sadd.s32 s8, s21;
	[dreg:$0x8] =	wrdreg s22;
	s24 =	sshrl.u32 s20, $0x3  }
0x16: {  	s21 =	sadd.s32 $0xB730, s6;
	s22 =	sadd.s32 $0xD5B8, s6;
	s15 =	sadd.s32 s6, s23  }
0x17: {  	s20 =	sadd.s32 s20, s23;
	[dreg:$0x7] =	wrdreg s9;
	s9 =	sadd.s32 s8, s24  }
0x18: {  	s25 =	sshrl.u32 s21, $0x3;
	s26 =	sshrl.u32 s22, $0x3;
	s21 =	sadd.s32 s21, s23  }
0x19: {  	s22 =	sadd.s32 s22, s23;
	s23 =	sadd.s32 s5, s1;
	s24 =	smax.u32 s0, $0x1  }
0x1a: {  	s1 =	simm.s32 $0x2;
	[dreg:$0x9] =	wrdreg s9;
	s9 =	sadd.s32 s8, s25  }
0x1b: {  	s0 =	simm.s32 $0x4;
	s10 =	sadd.s32 s8, s26;
	[dreg:$0xa] =	wrdreg s9  }
0x1c: {  	s25 =	simm.s32 $0x17928;
	s26 =	simm.s32 $0x80;
	_ =	strace $0x80000047  }
.LBB2_1:
0x1d: {  	s4 =	rddreg [dreg:$0x4]  }
0x1e: {  	[tilespmem:s25], [sflag:$0x2] =	stream.linear.gather [hbm4b:s4+s11], $0x1E88, $0x38;
	[tilespmem:$0x1B6A8] =	vst v63  }
0x1f: {  	_ = 	snop  }
0x20: {  	[tilespmem:s11], [sflag:$0x3] =	stream.strided.gather [hbm4b:s13+s26], $0x3400, s28, s26, $0x38;
	[tilespmem:$0x1B6A8] =	vst v63  }
0x21: {  	s9 =	simm.s32 $0x6800  }
0x22: {  	[tilespmem:s9], [sflag:$0x3] =	stream.strided.gather [hbm4b:s14+s26], $0x1A00, s28, s26, $0x38;
	[tilespmem:$0x1B6A8] =	vst v63  }
0x23: {  	s5 =	simm.s32 $0x8400  }
0x24: {  	[tilespmem:s5], [sflag:$0x3] =	stream.linear.gather [hbm4b:s12+s11], $0x100, $0x38;
	[tilespmem:$0x1B6A8] =	vst v63  }
0x25: {  	s6 =	rddreg [dreg:$0x5]  }
0x26: {  	[tilespmem:s31], [sflag:$0x2] =	stream.linear.gather [hbm4b:s6+s11], $0x1E88, $0x38;
	[tilespmem:$0x1B6A8] =	vst v63  }
0x27: {  	_ =	swait.ge [sflag:s1], $0x1E88  }
0x28: {  	[sflag:s1] =	ssyncset.done $0x0  }
0x29: {  	[sflag:s1] =	ssyncadd.s32 $0xFFFFE178  }
0x2a: {  	[spmem:s15] =	stream.linear.scatter [tilespmem:s25], [sflag:$0x4], $0x1E88, $0x38;
	[tilespmem:$0x1B6A8] =	vst v63  }
0x2b: {  	_ =	swait.ge [sflag:s0], $0x1E88  }
0x2c: {  	[sflag:s0] =	ssyncset.done $0x0  }
0x2d: {  	s7 =	rddreg [dreg:$0x6];
	[sflag:s0] =	ssyncadd.s32 $0xFFFFE178  }
0x2e: {  	[tilespmem:s25], [sflag:$0x2] =	stream.linear.gather [hbm4b:s7+s11], $0x1E88, $0x38;
	[tilespmem:$0x1B6A8] =	vst v63  }
0x2f: {  	_ =	swait.ge [sflag:s1], $0x1E88  }
0x30: {  	[sflag:s1] =	ssyncset.done $0x0  }
0x31: {  	[sflag:s1] =	ssyncadd.s32 $0xFFFFE178  }
0x32: {  	[spmem:s16] =	stream.linear.scatter [tilespmem:s31], [sflag:$0x4], $0x1E88, $0x38;
	[tilespmem:$0x1B6A8] =	vst v63  }
0x33: {  	_ =	swait.ge [sflag:s0], $0x1E88  }
0x34: {  	[sflag:s0] =	ssyncset.done $0x0  }
0x35: {  	s8 =	rddreg [dreg:$0x7];
	[sflag:s0] =	ssyncadd.s32 $0xFFFFE178  }
0x36: {  	[tilespmem:s31], [sflag:$0x2] =	stream.linear.gather [hbm4b:s8+s11], $0x1E88, $0x38;
	[tilespmem:$0x1B6A8] =	vst v63  }
0x37: {  	_ =	swait.ge [sflag:s1], $0x1E88  }
0x38: {  	[sflag:s1] =	ssyncset.done $0x0  }
0x39: {  	[sflag:s1] =	ssyncadd.s32 $0xFFFFE178  }
0x3a: {  	[spmem:s17] =	stream.linear.scatter [tilespmem:s25], [sflag:$0x4], $0x1E88, $0x38;
	[tilespmem:$0x1B6A8] =	vst v63  }
0x3b: {  	_ =	swait.ge [sflag:s0], $0x1E88  }
0x3c: {  	[sflag:s0] =	ssyncset.done $0x0  }
0x3d: {  	s9 =	rddreg [dreg:$0x8];
	[sflag:s0] =	ssyncadd.s32 $0xFFFFE178  }
0x3e: {  	[tilespmem:s25], [sflag:$0x2] =	stream.linear.gather [hbm4b:s9+s11], $0x1E88, $0x38;
	[tilespmem:$0x1B6A8] =	vst v63  }
0x3f: {  	_ =	swait.ge [sflag:s1], $0x1E88  }
0x40: {  	[sflag:s1] =	ssyncset.done $0x0  }
0x41: {  	[sflag:s1] =	ssyncadd.s32 $0xFFFFE178  }
0x42: {  	[spmem:s18] =	stream.linear.scatter [tilespmem:s31], [sflag:$0x4], $0x1E88, $0x38;
	[tilespmem:$0x1B6A8] =	vst v63  }
0x43: {  	_ =	swait.ge [sflag:s0], $0x1E88  }
0x44: {  	[sflag:s0] =	ssyncset.done $0x0  }
0x45: {  	s5 =	rddreg [dreg:$0x9];
	[sflag:s0] =	ssyncadd.s32 $0xFFFFE178  }
0x46: {  	[tilespmem:s31], [sflag:$0x2] =	stream.linear.gather [hbm4b:s5+s11], $0x1E88, $0x38;
	[tilespmem:$0x1B6A8] =	vst v63  }
0x47: {  	_ =	swait.ge [sflag:s1], $0x1E88  }
0x48: {  	[sflag:s1] =	ssyncset.done $0x0  }
0x49: {  	[sflag:s1] =	ssyncadd.s32 $0xFFFFE178  }
0x4a: {  	[spmem:s19] =	stream.linear.scatter [tilespmem:s25], [sflag:$0x4], $0x1E88, $0x38;
	[tilespmem:$0x1B6A8] =	vst v63  }
0x4b: {  	_ =	swait.ge [sflag:s0], $0x1E88  }
0x4c: {  	[sflag:s0] =	ssyncset.done $0x0  }
0x4d: {  	s6 =	rddreg [dreg:$0xa];
	[sflag:s0] =	ssyncadd.s32 $0xFFFFE178  }
0x4e: {  	[tilespmem:s25], [sflag:$0x2] =	stream.linear.gather [hbm4b:s6+s11], $0x1E88, $0x38;
	[tilespmem:$0x1B6A8] =	vst v63  }
0x4f: {  	_ =	swait.ge [sflag:s1], $0x1E88  }
0x50: {  	[sflag:s1] =	ssyncset.done $0x0  }
0x51: {  	[sflag:s1] =	ssyncadd.s32 $0xFFFFE178  }
0x52: {  	[spmem:s20] =	stream.linear.scatter [tilespmem:s31], [sflag:$0x4], $0x1E88, $0x38;
	[tilespmem:$0x1B6A8] =	vst v63  }
0x53: {  	_ =	swait.ge [sflag:s0], $0x1E88  }
0x54: {  	[sflag:s0] =	ssyncset.done $0x0  }
0x55: {  	[sflag:s0] =	ssyncadd.s32 $0xFFFFE178  }
0x56: {  	[tilespmem:s31], [sflag:$0x2] =	stream.linear.gather [hbm4b:s10+s11], $0x1E70, $0x38;
	[tilespmem:$0x1B6A8] =	vst v63  }
0x57: {  	_ =	swait.ge [sflag:s1], $0x1E88  }
0x58: {  	[sflag:s1] =	ssyncset.done $0x0  }
0x59: {  	[sflag:s1] =	ssyncadd.s32 $0xFFFFE178  }
0x5a: {  	[spmem:s21] =	stream.linear.scatter [tilespmem:s25], [sflag:$0x4], $0x1E88, $0x38;
	[tilespmem:$0x1B6A8] =	vst v63  }
0x5b: {  	_ =	swait.ge [sflag:s0], $0x1E88  }
0x5c: {  	[sflag:s0] =	ssyncset.done $0x0  }
0x5d: {  	[sflag:s0] =	ssyncadd.s32 $0xFFFFE178  }
0x5e: {  	_ =	swait.ge [sflag:s1], $0x1E70  }
0x5f: {  	[sflag:s1] =	ssyncset.done $0x0  }
0x60: {  	[sflag:s1] =	ssyncadd.s32 $0xFFFFE190  }
0x61: {  	[spmem:s22] =	stream.linear.scatter [tilespmem:s31], [sflag:$0x4], $0x1E70, $0x38;
	[tilespmem:$0x1B6A8] =	vst v63  }
0x62: {  	_ =	swait.ge [sflag:s0], $0x1E70  }
0x63: {  	[sflag:s0] =	ssyncset.done $0x0  }
0x64: {  	[sflag:s0] =	ssyncadd.s32 $0xFFFFE190  }
0x65: {  	_ =	swait.ge [sflag:s29], $0x3400  }
0x66: {  	[sflag:s29] =	ssyncset.done $0x0  }
0x67: {  	[sflag:s29] =	ssyncadd.s32 $0xFFFFCC00  }
0x68: {  	[bflag:$0x0] =	sbarrier.arrive $0xFFFF  }
0x69: {  	s5 =	simm.s32 $0x3400;
	s7 =	rddreg [dreg:$0x2]  }
0x6a: {  	[tilespmem:s5], [sflag:$0x1] =	stream.indirect.gather [spmem:s7], $0x1, s11, s5, $0xb8;
	[tilespmem:$0x1B6A8] =	vst v63  }
0x6b: {  	_ =	swait.ge [sflag:s29], $0x1A00  }
0x6c: {  	[sflag:s29] =	ssyncset.done $0x0  }
0x6d: {  	[sflag:s29] =	ssyncadd.s32 $0xFFFFE600  }
0x6e: {  	_ =	swait.ge [sflag:s29], $0x100  }
0x6f: {  	[sflag:s29] =	ssyncset.done $0x0  }
0x70: {  	[sflag:s29] =	ssyncadd.s32 $0xFFFFFF00  }
0x71: {  	_ =	swait.ge [sflag:s30], $0x3400  }
0x72: {  	[sflag:s30] =	ssyncset.done $0x0  }
0x73: {  	[sflag:s30] =	ssyncadd.s32 $0xFFFFCC00  }
0x74: {  	s8 =	simm.s32 $0x4000;
	v0 =	vld [tilespmem:$0x84D0]  }
0x75: {  	v1 =	vld [tilespmem:s8+$0xFFFFF400];
	_ =	sdelay $0x1  }
0x76: {  	v2 =	vld [tilespmem:s8+$0xFFFFF600];
	_ =	sdelay $0x1  }
0x77: {  	v3 =	vld [tilespmem:s8+$0xFFFFF800]  }
0x78: {  	v1 =	vadd.f32 v1, v0  }
0x79: {  	v4 =	vld [tilespmem:s8+$0xFFFFFA00]  }
0x7a: {  	v1 =	vadd.f32 v2, v1  }
0x7b: {  	v2 =	vld [tilespmem:s8+$0xFFFFFC00]  }
0x7c: {  	v1 =	vadd.f32 v3, v1  }
0x7d: {  	v3 =	vld [tilespmem:s8+$0xFFFFFE00]  }
0x7e: {  	v1 =	vadd.f32 v4, v1  }
0x7f: {  	v39 =	vld [tilespmem:s8+$0x0]  }
0x80: {  	v1 =	vadd.f32 v2, v1  }
0x81: {  	v2 =	vld [tilespmem:s8+$0x200]  }
0x82: {  	v1 =	vadd.f32 v3, v1  }
0x83: {  	v3 =	vld [tilespmem:s8+$0x400]  }
0x84: {  	v1 =	vadd.f32 v39, v1  }
0x85: {  	v40 =	vld [tilespmem:s8+$0x600]  }
0x86: {  	v1 =	vadd.f32 v2, v1  }
0x87: {  	v2 =	vld [tilespmem:s8+$0x800]  }
0x88: {  	v1 =	vadd.f32 v3, v1  }
0x89: {  	v3 =	vld [tilespmem:s8+$0xA00]  }
0x8a: {  	v1 =	vadd.f32 v40, v1  }
0x8b: {  	v41 =	vld [tilespmem:s8+$0xC00]  }
0x8c: {  	s9 =	sand.u32 $0x1F0, s11;
	v1 =	vadd.f32 v2, v1  }
0x8d: {  	v2 =	vld [tilespmem:s9+$0x4E00]  }
0x8e: {  	v1 =	vadd.f32 v3, v1  }
0x8f: {  	v3 =	vld [tilespmem:s9+$0x5000]  }
0x90: {  	v1 =	vadd.f32 v41, v1  }
0x91: {  	v42 =	vld [tilespmem:s9+$0x5200]  }
0x92: {  	v1 =	vadd.f32 v2, v1  }
0x93: {  	v2 =	vld [tilespmem:s9+$0x5400]  }
0x94: {  	v1 =	vadd.f32 v3, v1  }
0x95: {  	v3 =	vld [tilespmem:s9+$0x5600]  }
0x96: {  	v1 =	vadd.f32 v42, v1  }
0x97: {  	v43 =	vld [tilespmem:s9+$0x5800]  }
0x98: {  	v1 =	vadd.f32 v2, v1  }
0x99: {  	v2 =	vld [tilespmem:s9+$0x5A00]  }
0x9a: {  	v1 =	vadd.f32 v3, v1  }
0x9b: {  	v3 =	vld [tilespmem:s9+$0x5C00]  }
0x9c: {  	v1 =	vadd.f32 v43, v1  }
0x9d: {  	v44 =	vld [tilespmem:s9+$0x5E00]  }
0x9e: {  	v1 =	vadd.f32 v2, v1  }
0x9f: {  	v2 =	vld [tilespmem:s9+$0x6000]  }
0xa0: {  	v1 =	vadd.f32 v3, v1  }
0xa1: {  	v3 =	vld [tilespmem:s9+$0x6200]  }
0xa2: {  	v45 =	vld [tilespmem:s9+$0x6600];
	v1 =	vadd.f32 v44, v1  }
0xa3: {  	s4 =	simm.s32 $0x7400;
	v5 =	vld [tilespmem:s9+$0x6400]  }
0xa4: {  	v6 =	vld [tilespmem:s4+$0xFFFFF400];
	v1 =	vadd.f32 v2, v1  }
0xa5: {  	v2 =	vld [tilespmem:$0x8400]  }
0xa6: {  	v7 =	vld [tilespmem:s4+$0xFFFFF600];
	v1 =	vadd.f32 v3, v1  }
0xa7: {  	v3 =	vld [tilespmem:$0x8410]  }
0xa8: {  	v46 =	vld [tilespmem:$0x8420];
	v1 =	vadd.f32 v5, v1  }
0xa9: {  	v8 =	vld [tilespmem:s4+$0xFFFFF800]  }
0xaa: {  	v47 =	vld [tilespmem:$0x8430];
	v2 =	vmul.f32 v6, v2;
	v1 =	vadd.f32 v45, v1  }
0xab: {  	v48 =	vld [tilespmem:s4+$0xFFFFFA00]  }
0xac: {  	v49 =	vld [tilespmem:s4+$0xFFFFFC00];
	v1 =	vadd.f32 v2, v1;
	v2 =	vmul.f32 v7, v3  }
0xad: {  	v3 =	vld [tilespmem:$0x8440]  }
0xae: {  	v50 =	vld [tilespmem:$0x8450];
	v1 =	vadd.f32 v2, v1;
	v2 =	vmul.f32 v8, v46  }
0xaf: {  	v51 =	vld [tilespmem:s4+$0xFFFFFE00]  }
0xb0: {  	v52 =	vld [tilespmem:$0x8460];
	v1 =	vadd.f32 v2, v1;
	v2 =	vmul.f32 v48, v47  }
0xb1: {  	v53 =	vld [tilespmem:s4+$0x0]  }
0xb2: {  	v54 =	vld [tilespmem:s4+$0x200];
	v1 =	vadd.f32 v2, v1;
	v2 =	vmul.f32 v49, v3  }
0xb3: {  	v3 =	vld [tilespmem:$0x8470]  }
0xb4: {  	v55 =	vld [tilespmem:$0x8480];
	v1 =	vadd.f32 v2, v1;
	v2 =	vmul.f32 v51, v50  }
0xb5: {  	v56 =	vld [tilespmem:s4+$0x400]  }
0xb6: {  	v57 =	vld [tilespmem:$0x8490];
	v1 =	vadd.f32 v2, v1;
	v2 =	vmul.f32 v53, v52  }
0xb7: {  	v58 =	vld [tilespmem:s4+$0x600]  }
0xb8: {  	v59 =	vld [tilespmem:s4+$0x800];
	v1 =	vadd.f32 v2, v1;
	v2 =	vmul.f32 v54, v3  }
0xb9: {  	v3 =	vld [tilespmem:$0x84A0]  }
0xba: {  	v60 =	vld [tilespmem:$0x84B0];
	v1 =	vadd.f32 v2, v1;
	v2 =	vmul.f32 v56, v55  }
0xbb: {  	v61 =	vld [tilespmem:s4+$0xA00]  }
0xbc: {  	v62 =	vld [tilespmem:$0x84C0];
	v1 =	vadd.f32 v2, v1;
	v2 =	vmul.f32 v58, v57  }
0xbd: {  	v63 =	vld [tilespmem:s4+$0xC00]  }
0xbe: {  	v1 =	vadd.f32 v2, v1;
	v2 =	vmul.f32 v59, v3;
	_ =	sdelay $0x1  }
0xbf: {  	v1 =	vadd.f32 v2, v1;
	v2 =	vmul.f32 v61, v60;
	_ =	sdelay $0x1  }
0xc0: {  	v1 =	vadd.f32 v2, v1;
	v2 =	vmul.f32 v63, v62;
	_ =	sdelay $0x1  }
0xc1: {  	v1 =	vadd.f32 v2, v1;
	_ =	sdelay $0x1  }
0xc2: {  	s7 =	simm.s32 $0x4010;
	[tilespmem:s2+$0x0] =	vst v1  }
0xc3: {  	s6 =	simm.s32 $0x10;
	s5 =	simm.s32 $0x8200;
	s8 =	simm.s32 $0x20;
	v1 =	vld [tilespmem:s7+$0xFFFFF400]  }
.LBB2_2:
0xc4: {  	p0 =	sne.s32 s8, $0x1F0  }
0xc5: {  	v2 =	vld [tilespmem:s7+$0xFFFFF600];
	_ =	sdelay $0x1  }
0xc6: {  	v3 =	vld [tilespmem:s7+$0xFFFFF800]  }
0xc7: {  	v1 =	vadd.f32 v1, v0  }
0xc8: {  	v4 =	vld [tilespmem:s7+$0xFFFFFA00]  }
0xc9: {  	v1 =	vadd.f32 v2, v1  }
0xca: {  	v2 =	vld [tilespmem:s7+$0xFFFFFC00]  }
0xcb: {  	v1 =	vadd.f32 v3, v1  }
0xcc: {  	v3 =	vld [tilespmem:s7+$0xFFFFFE00]  }
0xcd: {  	v1 =	vadd.f32 v4, v1  }
0xce: {  	v4 =	vld [tilespmem:s7+$0x0]  }
0xcf: {  	v1 =	vadd.f32 v2, v1  }
0xd0: {  	v2 =	vld [tilespmem:s7+$0x200]  }
0xd1: {  	v1 =	vadd.f32 v3, v1  }
0xd2: {  	v3 =	vld [tilespmem:s7+$0x400]  }
0xd3: {  	v1 =	vadd.f32 v4, v1  }
0xd4: {  	v4 =	vld [tilespmem:s7+$0x600]  }
0xd5: {  	v1 =	vadd.f32 v2, v1  }
0xd6: {  	v2 =	vld [tilespmem:s7+$0x800]  }
0xd7: {  	v1 =	vadd.f32 v3, v1  }
0xd8: {  	v3 =	vld [tilespmem:s7+$0xA00]  }
0xd9: {  	v1 =	vadd.f32 v4, v1  }
0xda: {  	v4 =	vld [tilespmem:s7+$0xC00]  }
0xdb: {  	s9 =	sand.u32 $0x1F0, s6;
	s6 =	smov.u32 s8;
	v1 =	vadd.f32 v2, v1  }
0xdc: {  	v2 =	vld [tilespmem:s9+$0x4E00]  }
0xdd: {  	v1 =	vadd.f32 v3, v1  }
0xde: {  	v3 =	vld [tilespmem:s9+$0x5000]  }
0xdf: {  	v1 =	vadd.f32 v4, v1  }
0xe0: {  	v4 =	vld [tilespmem:s9+$0x5200]  }
0xe1: {  	v1 =	vadd.f32 v2, v1  }
0xe2: {  	v2 =	vld [tilespmem:s9+$0x5400]  }
0xe3: {  	v1 =	vadd.f32 v3, v1  }
0xe4: {  	v3 =	vld [tilespmem:s9+$0x5600]  }
0xe5: {  	v1 =	vadd.f32 v4, v1  }
0xe6: {  	v4 =	vld [tilespmem:s9+$0x5800]  }
0xe7: {  	v1 =	vadd.f32 v2, v1  }
0xe8: {  	v2 =	vld [tilespmem:s9+$0x5A00]  }
0xe9: {  	v1 =	vadd.f32 v3, v1  }
0xea: {  	v3 =	vld [tilespmem:s9+$0x5C00]  }
0xeb: {  	v1 =	vadd.f32 v4, v1  }
0xec: {  	v4 =	vld [tilespmem:s9+$0x5E00]  }
0xed: {  	v1 =	vadd.f32 v2, v1  }
0xee: {  	v2 =	vld [tilespmem:s9+$0x6000]  }
0xef: {  	v1 =	vadd.f32 v3, v1  }
0xf0: {  	v3 =	vld [tilespmem:s9+$0x6200]  }
0xf1: {  	v1 =	vadd.f32 v4, v1;
	v4 =	vld [tilespmem:s9+$0x6600]  }
0xf2: {  	v5 =	vld [tilespmem:s9+$0x6400]  }
0xf3: {  	s4 =	sadd.s32 $0x10, s4;
	v1 =	vadd.f32 v2, v1;
	v2 =	vld [tilespmem:$0x8400]  }
0xf4: {  	v6 =	vld [tilespmem:s4+$0xFFFFF400]  }
0xf5: {  	v1 =	vadd.f32 v3, v1;
	v3 =	vld [tilespmem:$0x8410]  }
0xf6: {  	v7 =	vld [tilespmem:s4+$0xFFFFF600]  }
0xf7: {  	v1 =	vadd.f32 v5, v1;
	v5 =	vld [tilespmem:$0x8420]  }
0xf8: {  	v8 =	vld [tilespmem:s4+$0xFFFFF800]  }
0xf9: {  	v1 =	vadd.f32 v4, v1;
	v2 =	vmul.f32 v6, v2;
	v4 =	vld [tilespmem:$0x8430]  }
0xfa: {  	v6 =	vld [tilespmem:s4+$0xFFFFFA00]  }
0xfb: {  	v1 =	vadd.f32 v2, v1;
	v2 =	vmul.f32 v7, v3;
	v3 =	vld [tilespmem:$0x8440]  }
0xfc: {  	v7 =	vld [tilespmem:s4+$0xFFFFFC00]  }
0xfd: {  	v1 =	vadd.f32 v2, v1;
	v2 =	vmul.f32 v8, v5;
	v5 =	vld [tilespmem:$0x8450]  }
0xfe: {  	v8 =	vld [tilespmem:s4+$0xFFFFFE00]  }
0xff: {  	v1 =	vadd.f32 v2, v1;
	v2 =	vmul.f32 v6, v4;
	v4 =	vld [tilespmem:$0x8460]  }
0x100: {  	v6 =	vld [tilespmem:s4+$0x0]  }
0x101: {  	v1 =	vadd.f32 v2, v1;
	v2 =	vmul.f32 v7, v3;
	v3 =	vld [tilespmem:$0x8470]  }
0x102: {  	v7 =	vld [tilespmem:s4+$0x200]  }
0x103: {  	v1 =	vadd.f32 v2, v1;
	v2 =	vmul.f32 v8, v5;
	v5 =	vld [tilespmem:$0x8480]  }
0x104: {  	v8 =	vld [tilespmem:s4+$0x400]  }
0x105: {  	v1 =	vadd.f32 v2, v1;
	v2 =	vmul.f32 v6, v4;
	v4 =	vld [tilespmem:$0x8490]  }
0x106: {  	v6 =	vld [tilespmem:s4+$0x600]  }
0x107: {  	v1 =	vadd.f32 v2, v1;
	v2 =	vmul.f32 v7, v3;
	v3 =	vld [tilespmem:$0x84A0]  }
0x108: {  	v7 =	vld [tilespmem:s4+$0x800]  }
0x109: {  	v1 =	vadd.f32 v2, v1;
	v2 =	vmul.f32 v8, v5;
	v5 =	vld [tilespmem:$0x84B0]  }
0x10a: {  	v8 =	vld [tilespmem:s4+$0xA00]  }
0x10b: {  	v1 =	vadd.f32 v2, v1;
	v2 =	vmul.f32 v6, v4;
	v4 =	vld [tilespmem:$0x84C0]  }
0x10c: {  	v6 =	vld [tilespmem:s4+$0xC00]  }
0x10d: {  	v1 =	vadd.f32 v2, v1;
	v2 =	vmul.f32 v7, v3;
	_ =	sdelay $0x1  }
0x10e: {  	v1 =	vadd.f32 v2, v1;
	v2 =	vmul.f32 v8, v5;
	_ =	sdelay $0x1  }
0x10f: {  	v1 =	vadd.f32 v2, v1;
	v2 =	vmul.f32 v6, v4  }
.Ltmp0:
0x110: {  	(pc) =	sbr.rel @p0 .LBB2_2-.Ltmp0, $4  }
0x111: {  	v1 =	vadd.f32 v2, v1  }
0x112: {  	s5 =	sadd.s32 $0x10, s5  }
0x113: {  	s7 =	sadd.s32 $0x10, s7;
	[tilespmem:s5+$0x0] =	vst v1  }
0x114: {  	s8 =	sadd.s32 $0x10, s8;
	v1 =	vld [tilespmem:s7+$0xFFFFF400]  }
0x115: {  	_ = 	snop  }
0x116: {  	v2 =	vld [tilespmem:s7+$0xFFFFF600];
	_ =	sdelay $0x1  }
0x117: {  	v3 =	vld [tilespmem:s7+$0xFFFFF800]  }
0x118: {  	v0 =	vadd.f32 v1, v0  }
0x119: {  	v6 =	vld [tilespmem:s7+$0xFFFFFA00]  }
0x11a: {  	v0 =	vadd.f32 v2, v0  }
0x11b: {  	v7 =	vld [tilespmem:s7+$0xFFFFFC00]  }
0x11c: {  	v0 =	vadd.f32 v3, v0  }
0x11d: {  	v8 =	vld [tilespmem:s7+$0xFFFFFE00]  }
0x11e: {  	v0 =	vadd.f32 v6, v0  }
0x11f: {  	v9 =	vld [tilespmem:s7+$0x0]  }
0x120: {  	v0 =	vadd.f32 v7, v0  }
0x121: {  	v10 =	vld [tilespmem:s7+$0x200]  }
0x122: {  	v0 =	vadd.f32 v8, v0  }
0x123: {  	v11 =	vld [tilespmem:s7+$0x400]  }
0x124: {  	v0 =	vadd.f32 v9, v0  }
0x125: {  	v12 =	vld [tilespmem:s7+$0x600]  }
0x126: {  	v0 =	vadd.f32 v10, v0  }
0x127: {  	v13 =	vld [tilespmem:s7+$0x800]  }
0x128: {  	v0 =	vadd.f32 v11, v0  }
0x129: {  	v14 =	vld [tilespmem:s7+$0xA00]  }
0x12a: {  	v0 =	vadd.f32 v12, v0  }
0x12b: {  	v15 =	vld [tilespmem:s7+$0xC00]  }
0x12c: {  	s6 =	sand.u32 $0x1F0, s6;
	v0 =	vadd.f32 v13, v0  }
0x12d: {  	v16 =	vld [tilespmem:s6+$0x4E00]  }
0x12e: {  	v0 =	vadd.f32 v14, v0  }
0x12f: {  	v17 =	vld [tilespmem:s6+$0x5000]  }
0x130: {  	v0 =	vadd.f32 v15, v0  }
0x131: {  	v18 =	vld [tilespmem:s6+$0x5200]  }
0x132: {  	v0 =	vadd.f32 v16, v0  }
0x133: {  	v19 =	vld [tilespmem:s6+$0x5400]  }
0x134: {  	v0 =	vadd.f32 v17, v0  }
0x135: {  	v20 =	vld [tilespmem:s6+$0x5600]  }
0x136: {  	v0 =	vadd.f32 v18, v0  }
0x137: {  	v21 =	vld [tilespmem:s6+$0x5800]  }
0x138: {  	v0 =	vadd.f32 v19, v0  }
0x139: {  	v22 =	vld [tilespmem:s6+$0x5A00]  }
0x13a: {  	v0 =	vadd.f32 v20, v0  }
0x13b: {  	v23 =	vld [tilespmem:s6+$0x5C00]  }
0x13c: {  	v0 =	vadd.f32 v21, v0  }
0x13d: {  	v24 =	vld [tilespmem:s6+$0x5E00]  }
0x13e: {  	v0 =	vadd.f32 v22, v0  }
0x13f: {  	v25 =	vld [tilespmem:s6+$0x6000]  }
0x140: {  	v0 =	vadd.f32 v23, v0  }
0x141: {  	v26 =	vld [tilespmem:s6+$0x6200]  }
0x142: {  	v28 =	vld [tilespmem:$0x8400];
	v0 =	vadd.f32 v24, v0  }
0x143: {  	v4 =	vld [tilespmem:s6+$0x6400]  }
0x144: {  	s4 =	sadd.s32 $0x10, s4;
	v27 =	vld [tilespmem:s6+$0x6600];
	v0 =	vadd.f32 v25, v0  }
0x145: {  	v5 =	vld [tilespmem:s4+$0xFFFFF400]  }
0x146: {  	v29 =	vld [tilespmem:$0x8410];
	v0 =	vadd.f32 v26, v0  }
0x147: {  	v6 =	vld [tilespmem:s4+$0xFFFFF600]  }
0x148: {  	v30 =	vld [tilespmem:$0x8420];
	v0 =	vadd.f32 v4, v0  }
0x149: {  	v7 =	vld [tilespmem:s4+$0xFFFFF800]  }
0x14a: {  	v32 =	vld [tilespmem:$0x8430];
	v31 =	vmul.f32 v5, v28;
	v0 =	vadd.f32 v27, v0  }
0x14b: {  	v33 =	vld [tilespmem:s4+$0xFFFFFA00]  }
0x14c: {  	v35 =	vld [tilespmem:$0x8440];
	v34 =	vmul.f32 v6, v29;
	v0 =	vadd.f32 v31, v0  }
0x14d: {  	v36 =	vld [tilespmem:s4+$0xFFFFFC00]  }
0x14e: {  	v38 =	vld [tilespmem:$0x8450];
	v37 =	vmul.f32 v7, v30;
	v0 =	vadd.f32 v34, v0  }
0x14f: {  	v39 =	vld [tilespmem:s4+$0xFFFFFE00]  }
0x150: {  	v41 =	vld [tilespmem:$0x8460];
	v40 =	vmul.f32 v33, v32;
	v0 =	vadd.f32 v37, v0  }
0x151: {  	v42 =	vld [tilespmem:s4+$0x0]  }
0x152: {  	v44 =	vld [tilespmem:$0x8470];
	v43 =	vmul.f32 v36, v35;
	v0 =	vadd.f32 v40, v0  }
0x153: {  	v45 =	vld [tilespmem:s4+$0x200]  }
0x154: {  	v47 =	vld [tilespmem:$0x8480];
	v46 =	vmul.f32 v39, v38;
	v0 =	vadd.f32 v43, v0  }
0x155: {  	v48 =	vld [tilespmem:s4+$0x400]  }
0x156: {  	v50 =	vld [tilespmem:$0x8490];
	v49 =	vmul.f32 v42, v41;
	v0 =	vadd.f32 v46, v0  }
0x157: {  	v51 =	vld [tilespmem:s4+$0x600]  }
0x158: {  	v53 =	vld [tilespmem:$0x84A0];
	v52 =	vmul.f32 v45, v44;
	v0 =	vadd.f32 v49, v0  }
0x159: {  	v54 =	vld [tilespmem:s4+$0x800]  }
0x15a: {  	v56 =	vld [tilespmem:$0x84B0];
	v55 =	vmul.f32 v48, v47;
	v0 =	vadd.f32 v52, v0  }
0x15b: {  	v57 =	vld [tilespmem:s4+$0xA00]  }
0x15c: {  	v59 =	vld [tilespmem:$0x84C0];
	v58 =	vmul.f32 v51, v50;
	v0 =	vadd.f32 v55, v0  }
0x15d: {  	v60 =	vld [tilespmem:s4+$0xC00]  }
0x15e: {  	v61 =	vmul.f32 v54, v53;
	v0 =	vadd.f32 v58, v0;
	_ =	sdelay $0x1  }
0x15f: {  	v62 =	vmul.f32 v57, v56;
	v0 =	vadd.f32 v61, v0;
	_ =	sdelay $0x1  }
0x160: {  	v63 =	vmul.f32 v60, v59;
	v0 =	vadd.f32 v62, v0;
	_ =	sdelay $0x1  }
0x161: {  	s3 =	sadd.s32 $0x1, s3;
	v0 =	vadd.f32 v63, v0  }
0x162: {  	s9 =	sadd.s32 $0x10, s5;
	p0 =	sne.s32 s3, s24  }
.Ltmp1:
0x163: {  	[tilespmem:s9+$0x0] =	vst v0;
	(pc) =	sbr.rel @p0 .LBB2_1-.Ltmp1, $4  }
0x164: {  	[hbm4b:s23+s11] =	stream.linear.scatter [tilespmem:s2], [sflag:$0x4], $0x200, $0x38;
	[tilespmem:$0x1B6A8] =	vst v63  }
0x165: {  	_ =	swait.ge [sflag:s0], $0x200  }
0x166: {  	[sflag:s0] =	ssyncset.done $0x0  }
0x167: {  	[sflag:s0] =	ssyncadd.s32 $0xFFFFFE00  }
0x168: {  	_ =	sfence.sel $0x180000  }
0x169: {  	[bflag:$0x0] =	sbarrier.arrive $0xFFFF  }
0x16a: {  	_ =	strace $0x90000047  }
0x16b: {  	s0 =	stileid.u32;
	[bflag:$0x2] =	sbarrier.arrive $0xFFFF  }
0x16c: {  	p0 =	sne.s32 s0, $0x0;
	s0 =	rddreg [dreg:$0x3]  }
0x16d: {  	s0 =	sadd.s32 @!p0 $0x100000, s0  }
0x16e: {  	[sflag:s0] =	ssyncadd.tile.s32 @!p0 $0x1;
	_ =	shalt  }
.Lfunc_end2:
_tile_overlayer_lowered:
.L_overlay_start_2:
0x16f: {  	(tag) =	ssettag $0x2  }
0x170: {  	s0 =	rddreg [dreg:$0x0];
	s2 =	stileid.u32  }
0x171: {  	s1 =	rddreg [dreg:$0x1];
	p0 =	sne.s32 s2, $0x0  }
0x172: {  	s3 =	rddreg [dreg:$0x2];
	[bflag:$0x3] =	sbarrier.arrive $0xFFFF;
	s2 =	simm.s32 @!p0 $0x1C04  }
0x173: {  	[timem:s3], [sflag:s2] =	dma.local @!p0 [hbm:s0], s1  }
0x174: {  	s0 =	simm.s32 @!p0 $0x4  }
0x175: {  	_ =	swait.ge @!p0 [sflag:s0], s1  }
0x176: {  	s1 =	ssub.s32 @!p0 $0x0, s1;
	[sflag:s0] =	ssyncset.done @!p0 $0x0  }
0x177: {  	[sflag:s0] =	ssyncadd.s32 @!p0 s1  }
0x178: {  	[bflag:$0x3] =	sbarrier.arrive $0xFFFF  }
0x179: {  	_ =	shalt  }

</sc_bundles>
